<compile_context>
chip_gen: v7x
topology: tpu7x:2x2x1
jax: 0.10.2.dev20260603
libtpu: 0.0.44.dev20260713+nightly
codegen_flags: <defaults>
</compile_context>

<pallas_src>
import functools

import jax
import jax.numpy as jnp
from jax import lax
from jax.experimental import pallas as pl
from jax.experimental.pallas import tpu as pltpu
from jax.experimental.pallas import tpu_sc as plsc

N = 10000
NPAD = 10240
E = 640000
DIN = 128
DH = 256
DOUT = 128
EPS = 1e-5

NC, NS = 2, 16
NT = NC * NS
EPT = E // NT
CH = 80
DHALF = DIN // NC
EPS_T = E // NS
NCHUNK = EPS_T // CH
NBUF = 2
RPT = N // NS

_MESH = plsc.VectorSubcoreMesh(
    core_axis_name="c", subcore_axis_name="s", num_cores=NC, num_subcores=NS
)
_SC_PARAMS = pltpu.CompilerParams(
    needs_layout_passes=False, use_tc_tiling_on_sc=False
)


@functools.partial(
    pl.kernel,
    out_type=jax.ShapeDtypeStruct((NT, NPAD), jnp.float32),
    mesh=_MESH,
    compiler_params=_SC_PARAMS,
    scratch_types=[
        pltpu.VMEM((EPT,), jnp.int32),
        pltpu.VMEM((NPAD,), jnp.float32),
    ],
)
def _deg_kernel(dst_hbm, zpad_hbm, out_hbm, dst_v, cnt_v):
    c = lax.axis_index("c")
    s = lax.axis_index("s")
    gid = c * NS + s
    pltpu.sync_copy(zpad_hbm, cnt_v)
    pltpu.sync_copy(dst_hbm.at[pl.ds(gid * EPT, EPT)], dst_v)
    ones = jnp.ones((16,), jnp.float32)

    def count_body(i, carry):
        idx = dst_v[pl.ds(i * 16, 16)]
        plsc.addupdate_scatter(cnt_v, [idx], ones)
        return carry

    lax.fori_loop(0, EPT // 16, count_body, 0)
    pltpu.sync_copy(cnt_v, out_hbm.at[gid])


@functools.partial(
    pl.kernel,
    out_type=jax.ShapeDtypeStruct((NC, N, DHALF), jnp.float32),
    mesh=_MESH,
    compiler_params=_SC_PARAMS,
    scratch_types=[
        pltpu.VMEM((NCHUNK, CH), jnp.int32),
        pltpu.VMEM((NCHUNK, CH), jnp.int32),
        [pltpu.VMEM((CH, DHALF), jnp.float32)] * NBUF,
        [pltpu.SemaphoreType.DMA] * NBUF,
        pltpu.SemaphoreType.DMA,
        pltpu.VMEM_SHARED((N, DHALF), jnp.float32),
    ],
)
def _agg_kernel(table0_hbm, table1_hbm, src_hbm, dst_hbm, z2d_hbm, out_hbm,
                srcb, dstb, rows, gsem, psem, acc):
    c = lax.axis_index("c")
    s = lax.axis_index("s")
    zcopy = pltpu.async_copy(z2d_hbm.at[pl.ds(s * RPT, RPT)],
                             acc.at[pl.ds(s * RPT, RPT)], psem)
    scopy = pltpu.async_copy(src_hbm.at[s], srcb, gsem[0])
    dcopy = pltpu.async_copy(dst_hbm.at[s], dstb, gsem[1])
    scopy.wait()
    dcopy.wait()
    zcopy.wait()

    def run(table_hbm):
        pltpu.async_copy(table_hbm.at[srcb.at[0]], rows[0], gsem[0])
        pltpu.async_copy(table_hbm.at[srcb.at[1]], rows[1], gsem[1])
        plsc.subcore_barrier()

        def step(kk, b):
            pltpu.make_async_copy(table_hbm.at[srcb.at[kk]], rows[b],
                                  gsem[b]).wait()
            pltpu.sync_copy(rows[b], acc.at[dstb.at[kk]], add=True)

            @pl.when(kk + 2 < NCHUNK)
            def _():
                pltpu.async_copy(table_hbm.at[srcb.at[kk + 2]], rows[b],
                                 gsem[b])

        def pair(k, carry):
            step(2 * k, 0)
            step(2 * k + 1, 1)
            return carry

        lax.fori_loop(0, NCHUNK // NBUF, pair, 0)
        plsc.subcore_barrier()
        pltpu.sync_copy(acc.at[pl.ds(s * RPT, RPT)],
                        out_hbm.at[c, pl.ds(s * RPT, RPT)])

    @pl.when(c == 0)
    def _():
        run(table0_hbm)

    @pl.when(c == 1)
    def _():
        run(table1_hbm)


def _prep_body(cnt_ref, x_ref, dinv_ref, xs0_ref, xs1_ref):
    ones = jnp.ones((NT, 1), jnp.float32)
    deg = lax.dot_general(cnt_ref[...], ones, (((0,), (0,)), ((), ())),
                          precision=lax.Precision.HIGHEST) + 1.0
    dinv = lax.rsqrt(deg)[:N]
    dinv_ref[...] = dinv
    xs = x_ref[...] * dinv
    xs0_ref[...] = xs[:, :DHALF]
    xs1_ref[...] = xs[:, DHALF:]


_prep = pl.pallas_call(
    _prep_body,
    out_shape=(
        jax.ShapeDtypeStruct((N, 1), jnp.float32),
        jax.ShapeDtypeStruct((N, DHALF), jnp.float32),
        jax.ShapeDtypeStruct((N, DHALF), jnp.float32),
    ),
)


def _mid_body(p_ref, xs0_ref, xs1_ref, dinv_ref, W1_ref, g1_ref, beta1_ref,
              W2_ref, zs0_ref, zs1_ref):
    dinv = dinv_ref[...]
    a0 = (p_ref[0] + xs0_ref[...]) * dinv
    a1 = (p_ref[1] + xs1_ref[...]) * dinv
    h = (jnp.dot(a0, W1_ref[:DHALF], preferred_element_type=jnp.float32)
         + jnp.dot(a1, W1_ref[DHALF:], preferred_element_type=jnp.float32))
    mu = jnp.mean(h, axis=0, keepdims=True)
    d = h - mu
    var = jnp.mean(d * d, axis=0, keepdims=True)
    hn = g1_ref[...] * (d * lax.rsqrt(var + EPS)) + beta1_ref[...]
    r = jnp.maximum(hn, 0.0)
    zs0_ref[...] = jnp.dot(r, W2_ref[:, :DHALF],
                           preferred_element_type=jnp.float32) * dinv
    zs1_ref[...] = jnp.dot(r, W2_ref[:, DHALF:],
                           preferred_element_type=jnp.float32) * dinv


_mid = pl.pallas_call(
    _mid_body,
    out_shape=(
        jax.ShapeDtypeStruct((N, DHALF), jnp.float32),
        jax.ShapeDtypeStruct((N, DHALF), jnp.float32),
    ),
)


def _fin_body(q_ref, zs0_ref, zs1_ref, dinv_ref, g2_ref, beta2_ref, out_ref):
    dinv = dinv_ref[...]
    for half, (q, zs) in enumerate(((q_ref[0], zs0_ref), (q_ref[1], zs1_ref))):
        o = (q + zs[...]) * dinv
        mu = jnp.mean(o, axis=0, keepdims=True)
        d = o - mu
        var = jnp.mean(d * d, axis=0, keepdims=True)
        sl = pl.ds(half * DHALF, DHALF)
        out_ref[:, sl] = (g2_ref[sl] * (d * lax.rsqrt(var + EPS))
                          + beta2_ref[sl])


_fin = pl.pallas_call(
    _fin_body,
    out_shape=jax.ShapeDtypeStruct((N, DOUT), jnp.float32),
)


def kernel(x, edge_index, W1, b1, g1, beta1, W2, b2, g2, beta2):
    del b1, b2
    src3d = edge_index[0].reshape(NS, NCHUNK, CH)
    dst3d = edge_index[1].reshape(NS, NCHUNK, CH)
    zpad = jnp.zeros((NPAD,), jnp.float32)
    z2d = jnp.zeros((N, DHALF), jnp.float32)
    cnts = _deg_kernel(edge_index[1], zpad)
    dinv, xs0, xs1 = _prep(cnts, x)
    p = _agg_kernel(xs0, xs1, src3d, dst3d, z2d)
    zs0, zs1 = _mid(p, xs0, xs1, dinv, W1, g1, beta1, W2)
    q = _agg_kernel(zs0, zs1, src3d, dst3d, z2d)
    return _fin(q, zs0, zs1, dinv, g2, beta2)

# --- scband reference (transcript-rebuilt; emitter-appended) ---
"""Pipeline reference for scband-gcnencoder-13950053778090 (READ-ONLY COPY).

The authoritative reference and input builder live on the scoring server;
editing this copy changes nothing except your own understanding.
"""

import jax, jax.numpy as jnp
import numpy as np

N = 10000
E = 640000
DIN = 128
DOUT = 128
DH = 2 * DOUT
EPS = 1e-5


def setup_inputs(seed: int = 0) -> dict:
    key = jax.random.key(seed)
    ks = jax.random.split(key, 12)
    x = jax.random.normal(ks[0], (N, DIN), dtype=jnp.float32)
    edge_index = jax.random.randint(ks[1], (2, E), 0, N, dtype=jnp.int32)
    W1 = jax.random.normal(ks[2], (DIN, DH), dtype=jnp.float32) * (1.0 / np.sqrt(DIN))
    b1 = jnp.zeros((DH,), dtype=jnp.float32)
    g1 = jnp.ones((DH,), dtype=jnp.float32)
    beta1 = jnp.zeros((DH,), dtype=jnp.float32)
    W2 = jax.random.normal(ks[3], (DH, DOUT), dtype=jnp.float32) * (1.0 / np.sqrt(DH))
    b2 = jnp.zeros((DOUT,), dtype=jnp.float32)
    g2 = jnp.ones((DOUT,), dtype=jnp.float32)
    beta2 = jnp.zeros((DOUT,), dtype=jnp.float32)
    return {"x": x, "edge_index": edge_index, "W1": W1, "b1": b1, "g1": g1,
            "beta1": beta1, "W2": W2, "b2": b2, "g2": g2, "beta2": beta2}


def _gcn_conv(x, edge_index, W, b):
    # PyG GCNConv: add self-loops, symmetric normalization D^-1/2 (A+I) D^-1/2, then linear
    h = x @ W
    loop = jnp.arange(N, dtype=edge_index.dtype)
    src = jnp.concatenate([edge_index[0], loop])
    dst = jnp.concatenate([edge_index[1], loop])
    deg = jnp.zeros((N,), dtype=h.dtype).at[dst].add(1.0)
    dinv = jax.lax.rsqrt(jnp.maximum(deg, 1.0))
    norm = dinv[src] * dinv[dst]
    msg = h[src] * norm[:, None]
    out = jnp.zeros((N, h.shape[1]), dtype=h.dtype).at[dst].add(msg)
    return out + b


def _batch_norm(x, g, beta):
    mu = jnp.mean(x, axis=0)
    var = jnp.mean((x - mu) ** 2, axis=0)
    return g * (x - mu) * jax.lax.rsqrt(var + EPS) + beta


def reference(x, edge_index, W1, b1, g1, beta1, W2, b2, g2, beta2):
    h = _gcn_conv(x, edge_index, W1, b1)
    h = _batch_norm(h, g1, beta1)
    h = jax.nn.relu(h)
    # dropout is identity in deterministic/eval reference
    h = _gcn_conv(h, edge_index, W2, b2)
    h = _batch_norm(h, g2, beta2)
    return h

if __name__ == "__main__":
    import jax
    _d = setup_inputs()
    print(jax.jit(kernel)(*tuple(_d.values())))

</pallas_src>

<mosaic_0001>
#map = affine_map<(d0, d1) -> (0, 0)>
#map1 = affine_map<(d0, d1) -> (0, 0, 0)>
module attributes {stable_mosaic.version = 14 : i64} {
  func.func @_agg_kernel(%arg0: i32, %arg1: i32, %arg2: memref<10000x64xf32, #tpu.memory_space<hbm>>, %arg3: memref<10000x64xf32, #tpu.memory_space<hbm>>, %arg4: memref<16x500x80xi32, #tpu.memory_space<hbm>>, %arg5: memref<16x500x80xi32, #tpu.memory_space<hbm>>, %arg6: memref<10000x64xf32, #tpu.memory_space<hbm>>, %arg7: memref<2x10000x64xf32, #tpu.memory_space<hbm>>, %arg8: memref<500x80xi32, #tpu.memory_space<vmem>>, %arg9: memref<500x80xi32, #tpu.memory_space<vmem>>, %arg10: memref<80x64xf32, #tpu.memory_space<vmem>>, %arg11: memref<80x64xf32, #tpu.memory_space<vmem>>, %arg12: memref<!tpu.dma_semaphore, #tpu.memory_space<semaphore_mem>>, %arg13: memref<!tpu.dma_semaphore, #tpu.memory_space<semaphore_mem>>, %arg14: memref<!tpu.dma_semaphore, #tpu.memory_space<semaphore_mem>>, %arg15: memref<10000x64xf32, #tpu.memory_space<vmem_shared>>) attributes {dimension_semantics = [#tpu.dimension_semantics<core_parallel>, #tpu.dimension_semantics<subcore_parallel>], iteration_bounds = array<i64: 2, 16>, scalar_prefetch = 0 : i64, scratch_operands = 8 : i64, tpu.core_type = #tpu.core_type<sc_vector_subcore>, window_params = [{transform_indices = #map}, {transform_indices = #map}, {transform_indices = #map1}, {transform_indices = #map1}, {transform_indices = #map}, {transform_indices = #map1}]} {
    %mul3A = arith.constant 625 : i32
    %mul3A_0 = arith.muli %arg1, %mul3A : i32
    %mul3A_1 = arith.constant 625 : i32
    %mul3A_2 = arith.muli %arg1, %mul3A_1 : i32
    %dma_start3A = arith.constant 0 : i32
    %dma_start3A_3 = tpu.memref_slice %arg15[%mul3A_2, %dma_start3A] : memref<10000x64xf32, #tpu.memory_space<vmem_shared>> -> memref<625x64xf32, #tpu.memory_space<vmem_shared>>
    %dma_start3A_4 = arith.constant 0 : i32
    %dma_start3A_5 = tpu.memref_slice %arg6[%mul3A_0, %dma_start3A_4] : memref<10000x64xf32, #tpu.memory_space<hbm>> -> memref<625x64xf32, #tpu.memory_space<hbm>>
    tpu.enqueue_dma source(%dma_start3A_5 : memref<625x64xf32, #tpu.memory_space<hbm>>) target(%dma_start3A_3 : memref<625x64xf32, #tpu.memory_space<vmem_shared>>) target_semaphore(%arg14 : memref<!tpu.dma_semaphore, #tpu.memory_space<semaphore_mem>>)
    %dma_start3A_6 = arith.constant 0 : i32
    %dma_start3A_7 = arith.constant 0 : i32
    %dma_start3A_8 = tpu.memref_slice %arg4[%arg1, %dma_start3A_6, %dma_start3A_7] : memref<16x500x80xi32, #tpu.memory_space<hbm>> -> memref<1x500x80xi32, #tpu.memory_space<hbm>>
    %dma_start3A_9 = tpu.memref_squeeze %dma_start3A_8 : memref<1x500x80xi32, #tpu.memory_space<hbm>> -> memref<500x80xi32, #tpu.memory_space<hbm>>
    %dma_start3A_10 = arith.constant 0 : i32
    %dma_start3A_11 = arith.constant 0 : i32
    %dma_start3A_12 = tpu.memref_slice %arg4[%arg1, %dma_start3A_10, %dma_start3A_11] : memref<16x500x80xi32, #tpu.memory_space<hbm>> -> memref<1x500x80xi32, #tpu.memory_space<hbm>>
    %dma_start3A_13 = tpu.memref_squeeze %dma_start3A_12 : memref<1x500x80xi32, #tpu.memory_space<hbm>> -> memref<500x80xi32, #tpu.memory_space<hbm>>
    tpu.enqueue_dma source(%dma_start3A_13 : memref<500x80xi32, #tpu.memory_space<hbm>>) target(%arg8 : memref<500x80xi32, #tpu.memory_space<vmem>>) target_semaphore(%arg12 : memref<!tpu.dma_semaphore, #tpu.memory_space<semaphore_mem>>)
    %dma_start3A_14 = arith.constant 0 : i32
    %dma_start3A_15 = arith.constant 0 : i32
    %dma_start3A_16 = tpu.memref_slice %arg5[%arg1, %dma_start3A_14, %dma_start3A_15] : memref<16x500x80xi32, #tpu.memory_space<hbm>> -> memref<1x500x80xi32, #tpu.memory_space<hbm>>
    %dma_start3A_17 = tpu.memref_squeeze %dma_start3A_16 : memref<1x500x80xi32, #tpu.memory_space<hbm>> -> memref<500x80xi32, #tpu.memory_space<hbm>>
    %dma_start3A_18 = arith.constant 0 : i32
    %dma_start3A_19 = arith.constant 0 : i32
    %dma_start3A_20 = tpu.memref_slice %arg5[%arg1, %dma_start3A_18, %dma_start3A_19] : memref<16x500x80xi32, #tpu.memory_space<hbm>> -> memref<1x500x80xi32, #tpu.memory_space<hbm>>
    %dma_start3A_21 = tpu.memref_squeeze %dma_start3A_20 : memref<1x500x80xi32, #tpu.memory_space<hbm>> -> memref<500x80xi32, #tpu.memory_space<hbm>>
    tpu.enqueue_dma source(%dma_start3A_21 : memref<500x80xi32, #tpu.memory_space<hbm>>) target(%arg9 : memref<500x80xi32, #tpu.memory_space<vmem>>) target_semaphore(%arg13 : memref<!tpu.dma_semaphore, #tpu.memory_space<semaphore_mem>>)
    %dma_wait3A = arith.constant 0 : i32
    %dma_wait3A_22 = arith.constant 0 : i32
    %dma_wait3A_23 = tpu.memref_slice %arg4[%arg1, %dma_wait3A, %dma_wait3A_22] : memref<16x500x80xi32, #tpu.memory_space<hbm>> -> memref<1x500x80xi32, #tpu.memory_space<hbm>>
    %dma_wait3A_24 = tpu.memref_squeeze %dma_wait3A_23 : memref<1x500x80xi32, #tpu.memory_space<hbm>> -> memref<500x80xi32, #tpu.memory_space<hbm>>
    %dma_wait3A_25 = arith.constant 0 : i32
    %dma_wait3A_26 = arith.constant 0 : i32
    %dma_wait3A_27 = tpu.memref_slice %arg4[%arg1, %dma_wait3A_25, %dma_wait3A_26] : memref<16x500x80xi32, #tpu.memory_space<hbm>> -> memref<1x500x80xi32, #tpu.memory_space<hbm>>
    %dma_wait3A_28 = tpu.memref_squeeze %dma_wait3A_27 : memref<1x500x80xi32, #tpu.memory_space<hbm>> -> memref<500x80xi32, #tpu.memory_space<hbm>>
    tpu.wait_dma2 semaphore(%arg12 : memref<!tpu.dma_semaphore, #tpu.memory_space<semaphore_mem>>) src(%dma_wait3A_28 : memref<500x80xi32, #tpu.memory_space<hbm>>) dst(%arg8 : memref<500x80xi32, #tpu.memory_space<vmem>>)
    %dma_wait3A_29 = arith.constant 0 : i32
    %dma_wait3A_30 = arith.constant 0 : i32
    %dma_wait3A_31 = tpu.memref_slice %arg5[%arg1, %dma_wait3A_29, %dma_wait3A_30] : memref<16x500x80xi32, #tpu.memory_space<hbm>> -> memref<1x500x80xi32, #tpu.memory_space<hbm>>
    %dma_wait3A_32 = tpu.memref_squeeze %dma_wait3A_31 : memref<1x500x80xi32, #tpu.memory_space<hbm>> -> memref<500x80xi32, #tpu.memory_space<hbm>>
    %dma_wait3A_33 = arith.constant 0 : i32
    %dma_wait3A_34 = arith.constant 0 : i32
    %dma_wait3A_35 = tpu.memref_slice %arg5[%arg1, %dma_wait3A_33, %dma_wait3A_34] : memref<16x500x80xi32, #tpu.memory_space<hbm>> -> memref<1x500x80xi32, #tpu.memory_space<hbm>>
    %dma_wait3A_36 = tpu.memref_squeeze %dma_wait3A_35 : memref<1x500x80xi32, #tpu.memory_space<hbm>> -> memref<500x80xi32, #tpu.memory_space<hbm>>
    tpu.wait_dma2 semaphore(%arg13 : memref<!tpu.dma_semaphore, #tpu.memory_space<semaphore_mem>>) src(%dma_wait3A_36 : memref<500x80xi32, #tpu.memory_space<hbm>>) dst(%arg9 : memref<500x80xi32, #tpu.memory_space<vmem>>)
    %dma_wait3A_37 = arith.constant 0 : i32
    %dma_wait3A_38 = tpu.memref_slice %arg15[%mul3A_2, %dma_wait3A_37] : memref<10000x64xf32, #tpu.memory_space<vmem_shared>> -> memref<625x64xf32, #tpu.memory_space<vmem_shared>>
    %dma_wait3A_39 = arith.constant 0 : i32
    %dma_wait3A_40 = tpu.memref_slice %arg6[%mul3A_0, %dma_wait3A_39] : memref<10000x64xf32, #tpu.memory_space<hbm>> -> memref<625x64xf32, #tpu.memory_space<hbm>>
    tpu.wait_dma2 semaphore(%arg14 : memref<!tpu.dma_semaphore, #tpu.memory_space<semaphore_mem>>) src(%dma_wait3A_40 : memref<625x64xf32, #tpu.memory_space<hbm>>) dst(%dma_wait3A_38 : memref<625x64xf32, #tpu.memory_space<vmem_shared>>)
    %eq3A = arith.constant 0 : i32
    %eq3A_41 = arith.cmpi eq, %arg0, %eq3A : i32
    %convert_element_type3A = arith.extui %eq3A_41 : i1 to i32
    %cond3A = arith.constant 0 : i32
    %cond3A_42 = arith.cmpi ne, %convert_element_type3A, %cond3A : i32
    scf.if %cond3A_42 {
      %dma_start3A_48 = arith.constant 0 : i32
      %dma_start3A_49 = arith.constant 0 : i32
      %dma_start3A_50 = tpu.memref_slice %arg8[%dma_start3A_48, %dma_start3A_49] : memref<500x80xi32, #tpu.memory_space<vmem>> -> memref<1x80xi32, #tpu.memory_space<vmem>>
      %dma_start3A_51 = tpu.memref_squeeze %dma_start3A_50 : memref<1x80xi32, #tpu.memory_space<vmem>> -> memref<80xi32, #tpu.memory_space<vmem>>
      %dma_start3A_52 = arith.constant 0 : i32
      %dma_start3A_53 = arith.constant 0 : i32
      %dma_start3A_54 = tpu.memref_slice %arg2[%dma_start3A_52, %dma_start3A_53] : memref<10000x64xf32, #tpu.memory_space<hbm>> -> memref<10000x64xf32, #tpu.memory_space<hbm>>
      tpu.enqueue_indirect_dma source(%dma_start3A_54 : memref<10000x64xf32, #tpu.memory_space<hbm>>) target(%arg10 : memref<80x64xf32, #tpu.memory_space<vmem>>) offsets(%dma_start3A_51 : memref<80xi32, #tpu.memory_space<vmem>>) semaphore(%arg12 : memref<!tpu.dma_semaphore, #tpu.memory_space<semaphore_mem>>)
      %dma_start3A_55 = arith.constant 1 : i32
      %dma_start3A_56 = arith.constant 0 : i32
      %dma_start3A_57 = tpu.memref_slice %arg8[%dma_start3A_55, %dma_start3A_56] : memref<500x80xi32, #tpu.memory_space<vmem>> -> memref<1x80xi32, #tpu.memory_space<vmem>>
      %dma_start3A_58 = tpu.memref_squeeze %dma_start3A_57 : memref<1x80xi32, #tpu.memory_space<vmem>> -> memref<80xi32, #tpu.memory_space<vmem>>
      %dma_start3A_59 = arith.constant 0 : i32
      %dma_start3A_60 = arith.constant 0 : i32
      %dma_start3A_61 = tpu.memref_slice %arg2[%dma_start3A_59, %dma_start3A_60] : memref<10000x64xf32, #tpu.memory_space<hbm>> -> memref<10000x64xf32, #tpu.memory_space<hbm>>
      tpu.enqueue_indirect_dma source(%dma_start3A_61 : memref<10000x64xf32, #tpu.memory_space<hbm>>) target(%arg11 : memref<80x64xf32, #tpu.memory_space<vmem>>) offsets(%dma_start3A_58 : memref<80xi32, #tpu.memory_space<vmem>>) semaphore(%arg13 : memref<!tpu.dma_semaphore, #tpu.memory_space<semaphore_mem>>)
      %barrier3A = arith.constant 0 : index
      tpu.barrier barrier_id(%barrier3A)
      %scan3A = arith.constant 0 : i32
      %scan3A_62 = arith.constant 0 : i32
      %scan3A_63 = arith.constant 250 : i32
      %scan3A_64 = arith.addi %scan3A_62, %scan3A_63 : i32
      %scan3A_65 = arith.constant 1 : i32
      scf.for %scan3A_72 = %scan3A_62 to %scan3A_64 step %scan3A_65  : i32 {
        %mul3A_73 = arith.constant 2 : i32
        %mul3A_74 = arith.muli %mul3A_73, %scan3A_72 : i32
        %dma_wait3A_75 = arith.constant 0 : i32
        %dma_wait3A_76 = tpu.memref_slice %arg8[%mul3A_74, %dma_wait3A_75] : memref<500x80xi32, #tpu.memory_space<vmem>> -> memref<1x80xi32, #tpu.memory_space<vmem>>
        %dma_wait3A_77 = tpu.memref_squeeze %dma_wait3A_76 : memref<1x80xi32, #tpu.memory_space<vmem>> -> memref<80xi32, #tpu.memory_space<vmem>>
        %dma_wait3A_78 = arith.constant 0 : i32
        %dma_wait3A_79 = arith.constant 0 : i32
        %dma_wait3A_80 = tpu.memref_slice %arg2[%dma_wait3A_78, %dma_wait3A_79] : memref<10000x64xf32, #tpu.memory_space<hbm>> -> memref<10000x64xf32, #tpu.memory_space<hbm>>
        tpu.wait_indirect_dma semaphore(%arg12 : memref<!tpu.dma_semaphore, #tpu.memory_space<semaphore_mem>>) src(%dma_wait3A_80 : memref<10000x64xf32, #tpu.memory_space<hbm>>) dst(%arg10 : memref<80x64xf32, #tpu.memory_space<vmem>>)
        "tpu.region"() ({
          %run_scoped3A = tpu.sem_alloc : memref<!tpu.dma_semaphore, #tpu.memory_space<semaphore_mem>>
          %dma_start3A_103 = arith.constant 0 : i32
          %dma_start3A_104 = tpu.memref_slice %arg9[%mul3A_74, %dma_start3A_103] : memref<500x80xi32, #tpu.memory_space<vmem>> -> memref<1x80xi32, #tpu.memory_space<vmem>>
          %dma_start3A_105 = tpu.memref_squeeze %dma_start3A_104 : memref<1x80xi32, #tpu.memory_space<vmem>> -> memref<80xi32, #tpu.memory_space<vmem>>
          %dma_start3A_106 = arith.constant 0 : i32
          %dma_start3A_107 = arith.constant 0 : i32
          %dma_start3A_108 = tpu.memref_slice %arg15[%dma_start3A_106, %dma_start3A_107] : memref<10000x64xf32, #tpu.memory_space<vmem_shared>> -> memref<10000x64xf32, #tpu.memory_space<vmem_shared>>
          tpu.enqueue_indirect_dma source(%arg10 : memref<80x64xf32, #tpu.memory_space<vmem>>) target(%dma_start3A_108 : memref<10000x64xf32, #tpu.memory_space<vmem_shared>>) offsets(%dma_start3A_105 : memref<80xi32, #tpu.memory_space<vmem>>) semaphore(%run_scoped3A : memref<!tpu.dma_semaphore, #tpu.memory_space<semaphore_mem>>) {add = true}
          %dma_wait3A_109 = arith.constant 0 : i32
          %dma_wait3A_110 = tpu.memref_slice %arg9[%mul3A_74, %dma_wait3A_109] : memref<500x80xi32, #tpu.memory_space<vmem>> -> memref<1x80xi32, #tpu.memory_space<vmem>>
          %dma_wait3A_111 = tpu.memref_squeeze %dma_wait3A_110 : memref<1x80xi32, #tpu.memory_space<vmem>> -> memref<80xi32, #tpu.memory_space<vmem>>
          %dma_wait3A_112 = arith.constant 0 : i32
          %dma_wait3A_113 = arith.constant 0 : i32
          %dma_wait3A_114 = tpu.memref_slice %arg15[%dma_wait3A_112, %dma_wait3A_113] : memref<10000x64xf32, #tpu.memory_space<vmem_shared>> -> memref<10000x64xf32, #tpu.memory_space<vmem_shared>>
          tpu.wait_indirect_dma semaphore(%run_scoped3A : memref<!tpu.dma_semaphore, #tpu.memory_space<semaphore_mem>>) src(%arg10 : memref<80x64xf32, #tpu.memory_space<vmem>>) dst(%dma_wait3A_114 : memref<10000x64xf32, #tpu.memory_space<vmem_shared>>)
          tpu.yield
        }) : () -> ()
        %add3A = arith.constant 2 : i32
        %add3A_81 = arith.addi %mul3A_74, %add3A : i32
        %lt3A = arith.constant 500 : i32
        %lt3A_82 = arith.cmpi slt, %add3A_81, %lt3A : i32
        %convert_element_type3A_83 = arith.extui %lt3A_82 : i1 to i32
        %cond3A_84 = arith.constant 0 : i32
        %cond3A_85 = arith.cmpi ne, %convert_element_type3A_83, %cond3A_84 : i32
        scf.if %cond3A_85 {
          %add3A_103 = arith.constant 2 : i32
          %add3A_104 = arith.addi %mul3A_74, %add3A_103 : i32
          %dma_start3A_105 = arith.constant 0 : i32
          %dma_start3A_106 = tpu.memref_slice %arg8[%add3A_104, %dma_start3A_105] : memref<500x80xi32, #tpu.memory_space<vmem>> -> memref<1x80xi32, #tpu.memory_space<vmem>>
          %dma_start3A_107 = tpu.memref_squeeze %dma_start3A_106 : memref<1x80xi32, #tpu.memory_space<vmem>> -> memref<80xi32, #tpu.memory_space<vmem>>
          %dma_start3A_108 = arith.constant 0 : i32
          %dma_start3A_109 = arith.constant 0 : i32
          %dma_start3A_110 = tpu.memref_slice %arg2[%dma_start3A_108, %dma_start3A_109] : memref<10000x64xf32, #tpu.memory_space<hbm>> -> memref<10000x64xf32, #tpu.memory_space<hbm>>
          tpu.enqueue_indirect_dma source(%dma_start3A_110 : memref<10000x64xf32, #tpu.memory_space<hbm>>) target(%arg10 : memref<80x64xf32, #tpu.memory_space<vmem>>) offsets(%dma_start3A_107 : memref<80xi32, #tpu.memory_space<vmem>>) semaphore(%arg12 : memref<!tpu.dma_semaphore, #tpu.memory_space<semaphore_mem>>)
        } else {
        }
        %mul3A_86 = arith.constant 2 : i32
        %mul3A_87 = arith.muli %mul3A_86, %scan3A_72 : i32
        %add3A_88 = arith.constant 1 : i32
        %add3A_89 = arith.addi %mul3A_87, %add3A_88 : i32
        %dma_wait3A_90 = arith.constant 0 : i32
        %dma_wait3A_91 = tpu.memref_slice %arg8[%add3A_89, %dma_wait3A_90] : memref<500x80xi32, #tpu.memory_space<vmem>> -> memref<1x80xi32, #tpu.memory_space<vmem>>
        %dma_wait3A_92 = tpu.memref_squeeze %dma_wait3A_91 : memref<1x80xi32, #tpu.memory_space<vmem>> -> memref<80xi32, #tpu.memory_space<vmem>>
        %dma_wait3A_93 = arith.constant 0 : i32
        %dma_wait3A_94 = arith.constant 0 : i32
        %dma_wait3A_95 = tpu.memref_slice %arg2[%dma_wait3A_93, %dma_wait3A_94] : memref<10000x64xf32, #tpu.memory_space<hbm>> -> memref<10000x64xf32, #tpu.memory_space<hbm>>
        tpu.wait_indirect_dma semaphore(%arg13 : memref<!tpu.dma_semaphore, #tpu.memory_space<semaphore_mem>>) src(%dma_wait3A_95 : memref<10000x64xf32, #tpu.memory_space<hbm>>) dst(%arg11 : memref<80x64xf32, #tpu.memory_space<vmem>>)
        "tpu.region"() ({
          %run_scoped3A = tpu.sem_alloc : memref<!tpu.dma_semaphore, #tpu.memory_space<semaphore_mem>>
          %dma_start3A_103 = arith.constant 0 : i32
          %dma_start3A_104 = tpu.memref_slice %arg9[%add3A_89, %dma_start3A_103] : memref<500x80xi32, #tpu.memory_space<vmem>> -> memref<1x80xi32, #tpu.memory_space<vmem>>
          %dma_start3A_105 = tpu.memref_squeeze %dma_start3A_104 : memref<1x80xi32, #tpu.memory_space<vmem>> -> memref<80xi32, #tpu.memory_space<vmem>>
          %dma_start3A_106 = arith.constant 0 : i32
          %dma_start3A_107 = arith.constant 0 : i32
          %dma_start3A_108 = tpu.memref_slice %arg15[%dma_start3A_106, %dma_start3A_107] : memref<10000x64xf32, #tpu.memory_space<vmem_shared>> -> memref<10000x64xf32, #tpu.memory_space<vmem_shared>>
          tpu.enqueue_indirect_dma source(%arg11 : memref<80x64xf32, #tpu.memory_space<vmem>>) target(%dma_start3A_108 : memref<10000x64xf32, #tpu.memory_space<vmem_shared>>) offsets(%dma_start3A_105 : memref<80xi32, #tpu.memory_space<vmem>>) semaphore(%run_scoped3A : memref<!tpu.dma_semaphore, #tpu.memory_space<semaphore_mem>>) {add = true}
          %dma_wait3A_109 = arith.constant 0 : i32
          %dma_wait3A_110 = tpu.memref_slice %arg9[%add3A_89, %dma_wait3A_109] : memref<500x80xi32, #tpu.memory_space<vmem>> -> memref<1x80xi32, #tpu.memory_space<vmem>>
          %dma_wait3A_111 = tpu.memref_squeeze %dma_wait3A_110 : memref<1x80xi32, #tpu.memory_space<vmem>> -> memref<80xi32, #tpu.memory_space<vmem>>
          %dma_wait3A_112 = arith.constant 0 : i32
          %dma_wait3A_113 = arith.constant 0 : i32
          %dma_wait3A_114 = tpu.memref_slice %arg15[%dma_wait3A_112, %dma_wait3A_113] : memref<10000x64xf32, #tpu.memory_space<vmem_shared>> -> memref<10000x64xf32, #tpu.memory_space<vmem_shared>>
          tpu.wait_indirect_dma semaphore(%run_scoped3A : memref<!tpu.dma_semaphore, #tpu.memory_space<semaphore_mem>>) src(%arg11 : memref<80x64xf32, #tpu.memory_space<vmem>>) dst(%dma_wait3A_114 : memref<10000x64xf32, #tpu.memory_space<vmem_shared>>)
          tpu.yield
        }) : () -> ()
        %add3A_96 = arith.constant 2 : i32
        %add3A_97 = arith.addi %add3A_89, %add3A_96 : i32
        %lt3A_98 = arith.constant 500 : i32
        %lt3A_99 = arith.cmpi slt, %add3A_97, %lt3A_98 : i32
        %convert_element_type3A_100 = arith.extui %lt3A_99 : i1 to i32
        %cond3A_101 = arith.constant 0 : i32
        %cond3A_102 = arith.cmpi ne, %convert_element_type3A_100, %cond3A_101 : i32
        scf.if %cond3A_102 {
          %add3A_103 = arith.constant 2 : i32
          %add3A_104 = arith.addi %add3A_89, %add3A_103 : i32
          %dma_start3A_105 = arith.constant 0 : i32
          %dma_start3A_106 = tpu.memref_slice %arg8[%add3A_104, %dma_start3A_105] : memref<500x80xi32, #tpu.memory_space<vmem>> -> memref<1x80xi32, #tpu.memory_space<vmem>>
          %dma_start3A_107 = tpu.memref_squeeze %dma_start3A_106 : memref<1x80xi32, #tpu.memory_space<vmem>> -> memref<80xi32, #tpu.memory_space<vmem>>
          %dma_start3A_108 = arith.constant 0 : i32
          %dma_start3A_109 = arith.constant 0 : i32
          %dma_start3A_110 = tpu.memref_slice %arg2[%dma_start3A_108, %dma_start3A_109] : memref<10000x64xf32, #tpu.memory_space<hbm>> -> memref<10000x64xf32, #tpu.memory_space<hbm>>
          tpu.enqueue_indirect_dma source(%dma_start3A_110 : memref<10000x64xf32, #tpu.memory_space<hbm>>) target(%arg11 : memref<80x64xf32, #tpu.memory_space<vmem>>) offsets(%dma_start3A_107 : memref<80xi32, #tpu.memory_space<vmem>>) semaphore(%arg13 : memref<!tpu.dma_semaphore, #tpu.memory_space<semaphore_mem>>)
        } else {
        }
      }
      %scan3A_66 = arith.constant 250 : i32
      %barrier3A_67 = arith.constant 0 : index
      tpu.barrier barrier_id(%barrier3A_67)
      %mul3A_68 = arith.constant 625 : i32
      %mul3A_69 = arith.muli %arg1, %mul3A_68 : i32
      %mul3A_70 = arith.constant 625 : i32
      %mul3A_71 = arith.muli %arg1, %mul3A_70 : i32
      "tpu.region"() ({
        %run_scoped3A = tpu.sem_alloc : memref<!tpu.dma_semaphore, #tpu.memory_space<semaphore_mem>>
        %dma_start3A_72 = arith.constant 0 : i32
        %dma_start3A_73 = tpu.memref_slice %arg7[%arg0, %mul3A_71, %dma_start3A_72] : memref<2x10000x64xf32, #tpu.memory_space<hbm>> -> memref<1x625x64xf32, #tpu.memory_space<hbm>>
        %dma_start3A_74 = tpu.memref_squeeze %dma_start3A_73 : memref<1x625x64xf32, #tpu.memory_space<hbm>> -> memref<625x64xf32, #tpu.memory_space<hbm>>
        %dma_start3A_75 = arith.constant 0 : i32
        %dma_start3A_76 = tpu.memref_slice %arg15[%mul3A_69, %dma_start3A_75] : memref<10000x64xf32, #tpu.memory_space<vmem_shared>> -> memref<625x64xf32, #tpu.memory_space<vmem_shared>>
        tpu.enqueue_dma source(%dma_start3A_76 : memref<625x64xf32, #tpu.memory_space<vmem_shared>>) target(%dma_start3A_74 : memref<625x64xf32, #tpu.memory_space<hbm>>) target_semaphore(%run_scoped3A : memref<!tpu.dma_semaphore, #tpu.memory_space<semaphore_mem>>)
        %dma_wait3A_77 = arith.constant 0 : i32
        %dma_wait3A_78 = tpu.memref_slice %arg7[%arg0, %mul3A_71, %dma_wait3A_77] : memref<2x10000x64xf32, #tpu.memory_space<hbm>> -> memref<1x625x64xf32, #tpu.memory_space<hbm>>
        %dma_wait3A_79 = tpu.memref_squeeze %dma_wait3A_78 : memref<1x625x64xf32, #tpu.memory_space<hbm>> -> memref<625x64xf32, #tpu.memory_space<hbm>>
        %dma_wait3A_80 = arith.constant 0 : i32
        %dma_wait3A_81 = tpu.memref_slice %arg15[%mul3A_69, %dma_wait3A_80] : memref<10000x64xf32, #tpu.memory_space<vmem_shared>> -> memref<625x64xf32, #tpu.memory_space<vmem_shared>>
        tpu.wait_dma2 semaphore(%run_scoped3A : memref<!tpu.dma_semaphore, #tpu.memory_space<semaphore_mem>>) src(%dma_wait3A_81 : memref<625x64xf32, #tpu.memory_space<vmem_shared>>) dst(%dma_wait3A_79 : memref<625x64xf32, #tpu.memory_space<hbm>>)
        tpu.yield
      }) : () -> ()
    } else {
    }
    %eq3A_43 = arith.constant 1 : i32
    %eq3A_44 = arith.cmpi eq, %arg0, %eq3A_43 : i32
    %convert_element_type3A_45 = arith.extui %eq3A_44 : i1 to i32
    %cond3A_46 = arith.constant 0 : i32
    %cond3A_47 = arith.cmpi ne, %convert_element_type3A_45, %cond3A_46 : i32
    scf.if %cond3A_47 {
      %dma_start3A_48 = arith.constant 0 : i32
      %dma_start3A_49 = arith.constant 0 : i32
      %dma_start3A_50 = tpu.memref_slice %arg8[%dma_start3A_48, %dma_start3A_49] : memref<500x80xi32, #tpu.memory_space<vmem>> -> memref<1x80xi32, #tpu.memory_space<vmem>>
      %dma_start3A_51 = tpu.memref_squeeze %dma_start3A_50 : memref<1x80xi32, #tpu.memory_space<vmem>> -> memref<80xi32, #tpu.memory_space<vmem>>
      %dma_start3A_52 = arith.constant 0 : i32
      %dma_start3A_53 = arith.constant 0 : i32
      %dma_start3A_54 = tpu.memref_slice %arg3[%dma_start3A_52, %dma_start3A_53] : memref<10000x64xf32, #tpu.memory_space<hbm>> -> memref<10000x64xf32, #tpu.memory_space<hbm>>
      tpu.enqueue_indirect_dma source(%dma_start3A_54 : memref<10000x64xf32, #tpu.memory_space<hbm>>) target(%arg10 : memref<80x64xf32, #tpu.memory_space<vmem>>) offsets(%dma_start3A_51 : memref<80xi32, #tpu.memory_space<vmem>>) semaphore(%arg12 : memref<!tpu.dma_semaphore, #tpu.memory_space<semaphore_mem>>)
      %dma_start3A_55 = arith.constant 1 : i32
      %dma_start3A_56 = arith.constant 0 : i32
      %dma_start3A_57 = tpu.memref_slice %arg8[%dma_start3A_55, %dma_start3A_56] : memref<500x80xi32, #tpu.memory_space<vmem>> -> memref<1x80xi32, #tpu.memory_space<vmem>>
      %dma_start3A_58 = tpu.memref_squeeze %dma_start3A_57 : memref<1x80xi32, #tpu.memory_space<vmem>> -> memref<80xi32, #tpu.memory_space<vmem>>
      %dma_start3A_59 = arith.constant 0 : i32
      %dma_start3A_60 = arith.constant 0 : i32
      %dma_start3A_61 = tpu.memref_slice %arg3[%dma_start3A_59, %dma_start3A_60] : memref<10000x64xf32, #tpu.memory_space<hbm>> -> memref<10000x64xf32, #tpu.memory_space<hbm>>
      tpu.enqueue_indirect_dma source(%dma_start3A_61 : memref<10000x64xf32, #tpu.memory_space<hbm>>) target(%arg11 : memref<80x64xf32, #tpu.memory_space<vmem>>) offsets(%dma_start3A_58 : memref<80xi32, #tpu.memory_space<vmem>>) semaphore(%arg13 : memref<!tpu.dma_semaphore, #tpu.memory_space<semaphore_mem>>)
      %barrier3A = arith.constant 0 : index
      tpu.barrier barrier_id(%barrier3A)
      %scan3A = arith.constant 0 : i32
      %scan3A_62 = arith.constant 0 : i32
      %scan3A_63 = arith.constant 250 : i32
      %scan3A_64 = arith.addi %scan3A_62, %scan3A_63 : i32
      %scan3A_65 = arith.constant 1 : i32
      scf.for %scan3A_72 = %scan3A_62 to %scan3A_64 step %scan3A_65  : i32 {
        %mul3A_73 = arith.constant 2 : i32
        %mul3A_74 = arith.muli %mul3A_73, %scan3A_72 : i32
        %dma_wait3A_75 = arith.constant 0 : i32
        %dma_wait3A_76 = tpu.memref_slice %arg8[%mul3A_74, %dma_wait3A_75] : memref<500x80xi32, #tpu.memory_space<vmem>> -> memref<1x80xi32, #tpu.memory_space<vmem>>
        %dma_wait3A_77 = tpu.memref_squeeze %dma_wait3A_76 : memref<1x80xi32, #tpu.memory_space<vmem>> -> memref<80xi32, #tpu.memory_space<vmem>>
        %dma_wait3A_78 = arith.constant 0 : i32
        %dma_wait3A_79 = arith.constant 0 : i32
        %dma_wait3A_80 = tpu.memref_slice %arg3[%dma_wait3A_78, %dma_wait3A_79] : memref<10000x64xf32, #tpu.memory_space<hbm>> -> memref<10000x64xf32, #tpu.memory_space<hbm>>
        tpu.wait_indirect_dma semaphore(%arg12 : memref<!tpu.dma_semaphore, #tpu.memory_space<semaphore_mem>>) src(%dma_wait3A_80 : memref<10000x64xf32, #tpu.memory_space<hbm>>) dst(%arg10 : memref<80x64xf32, #tpu.memory_space<vmem>>)
        "tpu.region"() ({
          %run_scoped3A = tpu.sem_alloc : memref<!tpu.dma_semaphore, #tpu.memory_space<semaphore_mem>>
          %dma_start3A_103 = arith.constant 0 : i32
          %dma_start3A_104 = tpu.memref_slice %arg9[%mul3A_74, %dma_start3A_103] : memref<500x80xi32, #tpu.memory_space<vmem>> -> memref<1x80xi32, #tpu.memory_space<vmem>>
          %dma_start3A_105 = tpu.memref_squeeze %dma_start3A_104 : memref<1x80xi32, #tpu.memory_space<vmem>> -> memref<80xi32, #tpu.memory_space<vmem>>
          %dma_start3A_106 = arith.constant 0 : i32
          %dma_start3A_107 = arith.constant 0 : i32
          %dma_start3A_108 = tpu.memref_slice %arg15[%dma_start3A_106, %dma_start3A_107] : memref<10000x64xf32, #tpu.memory_space<vmem_shared>> -> memref<10000x64xf32, #tpu.memory_space<vmem_shared>>
          tpu.enqueue_indirect_dma source(%arg10 : memref<80x64xf32, #tpu.memory_space<vmem>>) target(%dma_start3A_108 : memref<10000x64xf32, #tpu.memory_space<vmem_shared>>) offsets(%dma_start3A_105 : memref<80xi32, #tpu.memory_space<vmem>>) semaphore(%run_scoped3A : memref<!tpu.dma_semaphore, #tpu.memory_space<semaphore_mem>>) {add = true}
          %dma_wait3A_109 = arith.constant 0 : i32
          %dma_wait3A_110 = tpu.memref_slice %arg9[%mul3A_74, %dma_wait3A_109] : memref<500x80xi32, #tpu.memory_space<vmem>> -> memref<1x80xi32, #tpu.memory_space<vmem>>
          %dma_wait3A_111 = tpu.memref_squeeze %dma_wait3A_110 : memref<1x80xi32, #tpu.memory_space<vmem>> -> memref<80xi32, #tpu.memory_space<vmem>>
          %dma_wait3A_112 = arith.constant 0 : i32
          %dma_wait3A_113 = arith.constant 0 : i32
          %dma_wait3A_114 = tpu.memref_slice %arg15[%dma_wait3A_112, %dma_wait3A_113] : memref<10000x64xf32, #tpu.memory_space<vmem_shared>> -> memref<10000x64xf32, #tpu.memory_space<vmem_shared>>
          tpu.wait_indirect_dma semaphore(%run_scoped3A : memref<!tpu.dma_semaphore, #tpu.memory_space<semaphore_mem>>) src(%arg10 : memref<80x64xf32, #tpu.memory_space<vmem>>) dst(%dma_wait3A_114 : memref<10000x64xf32, #tpu.memory_space<vmem_shared>>)
          tpu.yield
        }) : () -> ()
        %add3A = arith.constant 2 : i32
        %add3A_81 = arith.addi %mul3A_74, %add3A : i32
        %lt3A = arith.constant 500 : i32
        %lt3A_82 = arith.cmpi slt, %add3A_81, %lt3A : i32
        %convert_element_type3A_83 = arith.extui %lt3A_82 : i1 to i32
        %cond3A_84 = arith.constant 0 : i32
        %cond3A_85 = arith.cmpi ne, %convert_element_type3A_83, %cond3A_84 : i32
        scf.if %cond3A_85 {
          %add3A_103 = arith.constant 2 : i32
          %add3A_104 = arith.addi %mul3A_74, %add3A_103 : i32
          %dma_start3A_105 = arith.constant 0 : i32
          %dma_start3A_106 = tpu.memref_slice %arg8[%add3A_104, %dma_start3A_105] : memref<500x80xi32, #tpu.memory_space<vmem>> -> memref<1x80xi32, #tpu.memory_space<vmem>>
          %dma_start3A_107 = tpu.memref_squeeze %dma_start3A_106 : memref<1x80xi32, #tpu.memory_space<vmem>> -> memref<80xi32, #tpu.memory_space<vmem>>
          %dma_start3A_108 = arith.constant 0 : i32
          %dma_start3A_109 = arith.constant 0 : i32
          %dma_start3A_110 = tpu.memref_slice %arg3[%dma_start3A_108, %dma_start3A_109] : memref<10000x64xf32, #tpu.memory_space<hbm>> -> memref<10000x64xf32, #tpu.memory_space<hbm>>
          tpu.enqueue_indirect_dma source(%dma_start3A_110 : memref<10000x64xf32, #tpu.memory_space<hbm>>) target(%arg10 : memref<80x64xf32, #tpu.memory_space<vmem>>) offsets(%dma_start3A_107 : memref<80xi32, #tpu.memory_space<vmem>>) semaphore(%arg12 : memref<!tpu.dma_semaphore, #tpu.memory_space<semaphore_mem>>)
        } else {
        }
        %mul3A_86 = arith.constant 2 : i32
        %mul3A_87 = arith.muli %mul3A_86, %scan3A_72 : i32
        %add3A_88 = arith.constant 1 : i32
        %add3A_89 = arith.addi %mul3A_87, %add3A_88 : i32
        %dma_wait3A_90 = arith.constant 0 : i32
        %dma_wait3A_91 = tpu.memref_slice %arg8[%add3A_89, %dma_wait3A_90] : memref<500x80xi32, #tpu.memory_space<vmem>> -> memref<1x80xi32, #tpu.memory_space<vmem>>
        %dma_wait3A_92 = tpu.memref_squeeze %dma_wait3A_91 : memref<1x80xi32, #tpu.memory_space<vmem>> -> memref<80xi32, #tpu.memory_space<vmem>>
        %dma_wait3A_93 = arith.constant 0 : i32
        %dma_wait3A_94 = arith.constant 0 : i32
        %dma_wait3A_95 = tpu.memref_slice %arg3[%dma_wait3A_93, %dma_wait3A_94] : memref<10000x64xf32, #tpu.memory_space<hbm>> -> memref<10000x64xf32, #tpu.memory_space<hbm>>
        tpu.wait_indirect_dma semaphore(%arg13 : memref<!tpu.dma_semaphore, #tpu.memory_space<semaphore_mem>>) src(%dma_wait3A_95 : memref<10000x64xf32, #tpu.memory_space<hbm>>) dst(%arg11 : memref<80x64xf32, #tpu.memory_space<vmem>>)
        "tpu.region"() ({
          %run_scoped3A = tpu.sem_alloc : memref<!tpu.dma_semaphore, #tpu.memory_space<semaphore_mem>>
          %dma_start3A_103 = arith.constant 0 : i32
          %dma_start3A_104 = tpu.memref_slice %arg9[%add3A_89, %dma_start3A_103] : memref<500x80xi32, #tpu.memory_space<vmem>> -> memref<1x80xi32, #tpu.memory_space<vmem>>
          %dma_start3A_105 = tpu.memref_squeeze %dma_start3A_104 : memref<1x80xi32, #tpu.memory_space<vmem>> -> memref<80xi32, #tpu.memory_space<vmem>>
          %dma_start3A_106 = arith.constant 0 : i32
          %dma_start3A_107 = arith.constant 0 : i32
          %dma_start3A_108 = tpu.memref_slice %arg15[%dma_start3A_106, %dma_start3A_107] : memref<10000x64xf32, #tpu.memory_space<vmem_shared>> -> memref<10000x64xf32, #tpu.memory_space<vmem_shared>>
          tpu.enqueue_indirect_dma source(%arg11 : memref<80x64xf32, #tpu.memory_space<vmem>>) target(%dma_start3A_108 : memref<10000x64xf32, #tpu.memory_space<vmem_shared>>) offsets(%dma_start3A_105 : memref<80xi32, #tpu.memory_space<vmem>>) semaphore(%run_scoped3A : memref<!tpu.dma_semaphore, #tpu.memory_space<semaphore_mem>>) {add = true}
          %dma_wait3A_109 = arith.constant 0 : i32
          %dma_wait3A_110 = tpu.memref_slice %arg9[%add3A_89, %dma_wait3A_109] : memref<500x80xi32, #tpu.memory_space<vmem>> -> memref<1x80xi32, #tpu.memory_space<vmem>>
          %dma_wait3A_111 = tpu.memref_squeeze %dma_wait3A_110 : memref<1x80xi32, #tpu.memory_space<vmem>> -> memref<80xi32, #tpu.memory_space<vmem>>
          %dma_wait3A_112 = arith.constant 0 : i32
          %dma_wait3A_113 = arith.constant 0 : i32
          %dma_wait3A_114 = tpu.memref_slice %arg15[%dma_wait3A_112, %dma_wait3A_113] : memref<10000x64xf32, #tpu.memory_space<vmem_shared>> -> memref<10000x64xf32, #tpu.memory_space<vmem_shared>>
          tpu.wait_indirect_dma semaphore(%run_scoped3A : memref<!tpu.dma_semaphore, #tpu.memory_space<semaphore_mem>>) src(%arg11 : memref<80x64xf32, #tpu.memory_space<vmem>>) dst(%dma_wait3A_114 : memref<10000x64xf32, #tpu.memory_space<vmem_shared>>)
          tpu.yield
        }) : () -> ()
        %add3A_96 = arith.constant 2 : i32
        %add3A_97 = arith.addi %add3A_89, %add3A_96 : i32
        %lt3A_98 = arith.constant 500 : i32
        %lt3A_99 = arith.cmpi slt, %add3A_97, %lt3A_98 : i32
        %convert_element_type3A_100 = arith.extui %lt3A_99 : i1 to i32
        %cond3A_101 = arith.constant 0 : i32
        %cond3A_102 = arith.cmpi ne, %convert_element_type3A_100, %cond3A_101 : i32
        scf.if %cond3A_102 {
          %add3A_103 = arith.constant 2 : i32
          %add3A_104 = arith.addi %add3A_89, %add3A_103 : i32
          %dma_start3A_105 = arith.constant 0 : i32
          %dma_start3A_106 = tpu.memref_slice %arg8[%add3A_104, %dma_start3A_105] : memref<500x80xi32, #tpu.memory_space<vmem>> -> memref<1x80xi32, #tpu.memory_space<vmem>>
          %dma_start3A_107 = tpu.memref_squeeze %dma_start3A_106 : memref<1x80xi32, #tpu.memory_space<vmem>> -> memref<80xi32, #tpu.memory_space<vmem>>
          %dma_start3A_108 = arith.constant 0 : i32
          %dma_start3A_109 = arith.constant 0 : i32
          %dma_start3A_110 = tpu.memref_slice %arg3[%dma_start3A_108, %dma_start3A_109] : memref<10000x64xf32, #tpu.memory_space<hbm>> -> memref<10000x64xf32, #tpu.memory_space<hbm>>
          tpu.enqueue_indirect_dma source(%dma_start3A_110 : memref<10000x64xf32, #tpu.memory_space<hbm>>) target(%arg11 : memref<80x64xf32, #tpu.memory_space<vmem>>) offsets(%dma_start3A_107 : memref<80xi32, #tpu.memory_space<vmem>>) semaphore(%arg13 : memref<!tpu.dma_semaphore, #tpu.memory_space<semaphore_mem>>)
        } else {
        }
      }
      %scan3A_66 = arith.constant 250 : i32
      %barrier3A_67 = arith.constant 0 : index
      tpu.barrier barrier_id(%barrier3A_67)
      %mul3A_68 = arith.constant 625 : i32
      %mul3A_69 = arith.muli %arg1, %mul3A_68 : i32
      %mul3A_70 = arith.constant 625 : i32
      %mul3A_71 = arith.muli %arg1, %mul3A_70 : i32
      "tpu.region"() ({
        %run_scoped3A = tpu.sem_alloc : memref<!tpu.dma_semaphore, #tpu.memory_space<semaphore_mem>>
        %dma_start3A_72 = arith.constant 0 : i32
        %dma_start3A_73 = tpu.memref_slice %arg7[%arg0, %mul3A_71, %dma_start3A_72] : memref<2x10000x64xf32, #tpu.memory_space<hbm>> -> memref<1x625x64xf32, #tpu.memory_space<hbm>>
        %dma_start3A_74 = tpu.memref_squeeze %dma_start3A_73 : memref<1x625x64xf32, #tpu.memory_space<hbm>> -> memref<625x64xf32, #tpu.memory_space<hbm>>
        %dma_start3A_75 = arith.constant 0 : i32
        %dma_start3A_76 = tpu.memref_slice %arg15[%mul3A_69, %dma_start3A_75] : memref<10000x64xf32, #tpu.memory_space<vmem_shared>> -> memref<625x64xf32, #tpu.memory_space<vmem_shared>>
        tpu.enqueue_dma source(%dma_start3A_76 : memref<625x64xf32, #tpu.memory_space<vmem_shared>>) target(%dma_start3A_74 : memref<625x64xf32, #tpu.memory_space<hbm>>) target_semaphore(%run_scoped3A : memref<!tpu.dma_semaphore, #tpu.memory_space<semaphore_mem>>)
        %dma_wait3A_77 = arith.constant 0 : i32
        %dma_wait3A_78 = tpu.memref_slice %arg7[%arg0, %mul3A_71, %dma_wait3A_77] : memref<2x10000x64xf32, #tpu.memory_space<hbm>> -> memref<1x625x64xf32, #tpu.memory_space<hbm>>
        %dma_wait3A_79 = tpu.memref_squeeze %dma_wait3A_78 : memref<1x625x64xf32, #tpu.memory_space<hbm>> -> memref<625x64xf32, #tpu.memory_space<hbm>>
        %dma_wait3A_80 = arith.constant 0 : i32
        %dma_wait3A_81 = tpu.memref_slice %arg15[%mul3A_69, %dma_wait3A_80] : memref<10000x64xf32, #tpu.memory_space<vmem_shared>> -> memref<625x64xf32, #tpu.memory_space<vmem_shared>>
        tpu.wait_dma2 semaphore(%run_scoped3A : memref<!tpu.dma_semaphore, #tpu.memory_space<semaphore_mem>>) src(%dma_wait3A_81 : memref<625x64xf32, #tpu.memory_space<vmem_shared>>) dst(%dma_wait3A_79 : memref<625x64xf32, #tpu.memory_space<hbm>>)
        tpu.yield
      }) : () -> ()
    } else {
    }
    return
  }
}

#map = affine_map<(d0, d1) -> (0)>
#map1 = affine_map<(d0, d1) -> (0, 0)>
module attributes {stable_mosaic.version = 14 : i64} {
  func.func @_deg_kernel(%arg0: i32, %arg1: i32, %arg2: memref<640000xi32, #tpu.memory_space<hbm>>, %arg3: memref<10240xf32, #tpu.memory_space<hbm>>, %arg4: memref<32x10240xf32, #tpu.memory_space<hbm>>, %arg5: memref<20000xi32, #tpu.memory_space<vmem>>, %arg6: memref<10240xf32, #tpu.memory_space<vmem>>) attributes {dimension_semantics = [#tpu.dimension_semantics<core_parallel>, #tpu.dimension_semantics<subcore_parallel>], iteration_bounds = array<i64: 2, 16>, scalar_prefetch = 0 : i64, scratch_operands = 2 : i64, tpu.core_type = #tpu.core_type<sc_vector_subcore>, window_params = [{transform_indices = #map}, {transform_indices = #map}, {transform_indices = #map1}]} {
    %mul3A = arith.constant 16 : i32
    %mul3A_0 = arith.muli %arg0, %mul3A : i32
    %add3A = arith.addi %mul3A_0, %arg1 : i32
    "tpu.region"() ({
      %run_scoped3A = tpu.sem_alloc : memref<!tpu.dma_semaphore, #tpu.memory_space<semaphore_mem>>
      tpu.enqueue_dma source(%arg3 : memref<10240xf32, #tpu.memory_space<hbm>>) target(%arg6 : memref<10240xf32, #tpu.memory_space<vmem>>) target_semaphore(%run_scoped3A : memref<!tpu.dma_semaphore, #tpu.memory_space<semaphore_mem>>)
      tpu.wait_dma2 semaphore(%run_scoped3A : memref<!tpu.dma_semaphore, #tpu.memory_space<semaphore_mem>>) src(%arg3 : memref<10240xf32, #tpu.memory_space<hbm>>) dst(%arg6 : memref<10240xf32, #tpu.memory_space<vmem>>)
      tpu.yield
    }) : () -> ()
    %mul3A_1 = arith.constant 20000 : i32
    %mul3A_2 = arith.muli %add3A, %mul3A_1 : i32
    "tpu.region"() ({
      %run_scoped3A = tpu.sem_alloc : memref<!tpu.dma_semaphore, #tpu.memory_space<semaphore_mem>>
      %dma_start3A = tpu.memref_slice %arg2[%mul3A_2] : memref<640000xi32, #tpu.memory_space<hbm>> -> memref<20000xi32, #tpu.memory_space<hbm>>
      %dma_start3A_9 = tpu.memref_slice %arg2[%mul3A_2] : memref<640000xi32, #tpu.memory_space<hbm>> -> memref<20000xi32, #tpu.memory_space<hbm>>
      tpu.enqueue_dma source(%dma_start3A_9 : memref<20000xi32, #tpu.memory_space<hbm>>) target(%arg5 : memref<20000xi32, #tpu.memory_space<vmem>>) target_semaphore(%run_scoped3A : memref<!tpu.dma_semaphore, #tpu.memory_space<semaphore_mem>>)
      %dma_wait3A = tpu.memref_slice %arg2[%mul3A_2] : memref<640000xi32, #tpu.memory_space<hbm>> -> memref<20000xi32, #tpu.memory_space<hbm>>
      %dma_wait3A_10 = tpu.memref_slice %arg2[%mul3A_2] : memref<640000xi32, #tpu.memory_space<hbm>> -> memref<20000xi32, #tpu.memory_space<hbm>>
      tpu.wait_dma2 semaphore(%run_scoped3A : memref<!tpu.dma_semaphore, #tpu.memory_space<semaphore_mem>>) src(%dma_wait3A_10 : memref<20000xi32, #tpu.memory_space<hbm>>) dst(%arg5 : memref<20000xi32, #tpu.memory_space<vmem>>)
      tpu.yield
    }) : () -> ()
    %broadcast_in_dim3A = arith.constant 1.000000e+00 : f32
    %broadcast_in_dim3A_3 = vector.broadcast %broadcast_in_dim3A : f32 to vector<16xf32>
    %scan3A = arith.constant 0 : i32
    %scan3A_4 = arith.constant 0 : i32
    %scan3A_5 = arith.constant 1250 : i32
    %scan3A_6 = arith.addi %scan3A_4, %scan3A_5 : i32
    %scan3A_7 = arith.constant 1 : i32
    scf.for %scan3A_9 = %scan3A_4 to %scan3A_6 step %scan3A_7  : i32 {
      %mul3A_10 = arith.constant 16 : i32
      %mul3A_11 = arith.muli %scan3A_9, %mul3A_10 : i32
      %get3A = arith.index_cast %mul3A_11 : i32 to index
      %get3A_12 = tpu.vector_load %arg5[%get3A] {strides = array<i32>} : memref<20000xi32, #tpu.memory_space<vmem>>, vector<16xi32>,
      tpu.vector_store_idx %arg6[%get3A_12], %broadcast_in_dim3A_3 {add = true} : memref<10240xf32, #tpu.memory_space<vmem>>[vector<16xi32>], vector<16xf32>,
    }
    %scan3A_8 = arith.constant 1250 : i32
    "tpu.region"() ({
      %run_scoped3A = tpu.sem_alloc : memref<!tpu.dma_semaphore, #tpu.memory_space<semaphore_mem>>
      %dma_start3A = arith.constant 0 : i32
      %dma_start3A_9 = tpu.memref_slice %arg4[%add3A, %dma_start3A] : memref<32x10240xf32, #tpu.memory_space<hbm>> -> memref<1x10240xf32, #tpu.memory_space<hbm>>
      %dma_start3A_10 = tpu.memref_squeeze %dma_start3A_9 : memref<1x10240xf32, #tpu.memory_space<hbm>> -> memref<10240xf32, #tpu.memory_space<hbm>>
      %dma_start3A_11 = arith.constant 0 : i32
      %dma_start3A_12 = tpu.memref_slice %arg4[%add3A, %dma_start3A_11] : memref<32x10240xf32, #tpu.memory_space<hbm>> -> memref<1x10240xf32, #tpu.memory_space<hbm>>
      %dma_start3A_13 = tpu.memref_squeeze %dma_start3A_12 : memref<1x10240xf32, #tpu.memory_space<hbm>> -> memref<10240xf32, #tpu.memory_space<hbm>>
      tpu.enqueue_dma source(%arg6 : memref<10240xf32, #tpu.memory_space<vmem>>) target(%dma_start3A_13 : memref<10240xf32, #tpu.memory_space<hbm>>) target_semaphore(%run_scoped3A : memref<!tpu.dma_semaphore, #tpu.memory_space<semaphore_mem>>)
      %dma_wait3A = arith.constant 0 : i32
      %dma_wait3A_14 = tpu.memref_slice %arg4[%add3A, %dma_wait3A] : memref<32x10240xf32, #tpu.memory_space<hbm>> -> memref<1x10240xf32, #tpu.memory_space<hbm>>
      %dma_wait3A_15 = tpu.memref_squeeze %dma_wait3A_14 : memref<1x10240xf32, #tpu.memory_space<hbm>> -> memref<10240xf32, #tpu.memory_space<hbm>>
      %dma_wait3A_16 = arith.constant 0 : i32
      %dma_wait3A_17 = tpu.memref_slice %arg4[%add3A, %dma_wait3A_16] : memref<32x10240xf32, #tpu.memory_space<hbm>> -> memref<1x10240xf32, #tpu.memory_space<hbm>>
      %dma_wait3A_18 = tpu.memref_squeeze %dma_wait3A_17 : memref<1x10240xf32, #tpu.memory_space<hbm>> -> memref<10240xf32, #tpu.memory_space<hbm>>
      tpu.wait_dma2 semaphore(%run_scoped3A : memref<!tpu.dma_semaphore, #tpu.memory_space<semaphore_mem>>) src(%arg6 : memref<10240xf32, #tpu.memory_space<vmem>>) dst(%dma_wait3A_18 : memref<10240xf32, #tpu.memory_space<hbm>>)
      tpu.yield
    }) : () -> ()
    return
  }
}

#map = affine_map<(d0, d1) -> (0, 0)>
#map1 = affine_map<(d0, d1) -> (0, 0, 0)>
module attributes {stable_mosaic.version = 14 : i64} {
  func.func @_agg_kernel(%arg0: i32, %arg1: i32, %arg2: memref<10000x64xf32, #tpu.memory_space<hbm>>, %arg3: memref<10000x64xf32, #tpu.memory_space<hbm>>, %arg4: memref<16x500x80xi32, #tpu.memory_space<hbm>>, %arg5: memref<16x500x80xi32, #tpu.memory_space<hbm>>, %arg6: memref<10000x64xf32, #tpu.memory_space<hbm>>, %arg7: memref<2x10000x64xf32, #tpu.memory_space<hbm>>, %arg8: memref<500x80xi32, #tpu.memory_space<vmem>>, %arg9: memref<500x80xi32, #tpu.memory_space<vmem>>, %arg10: memref<80x64xf32, #tpu.memory_space<vmem>>, %arg11: memref<80x64xf32, #tpu.memory_space<vmem>>, %arg12: memref<!tpu.dma_semaphore, #tpu.memory_space<semaphore_mem>>, %arg13: memref<!tpu.dma_semaphore, #tpu.memory_space<semaphore_mem>>, %arg14: memref<!tpu.dma_semaphore, #tpu.memory_space<semaphore_mem>>, %arg15: memref<10000x64xf32, #tpu.memory_space<vmem_shared>>) attributes {dimension_semantics = [#tpu.dimension_semantics<core_parallel>, #tpu.dimension_semantics<subcore_parallel>], iteration_bounds = array<i64: 2, 16>, scalar_prefetch = 0 : i64, scratch_operands = 8 : i64, tpu.core_type = #tpu.core_type<sc_vector_subcore>, window_params = [{transform_indices = #map}, {transform_indices = #map}, {transform_indices = #map1}, {transform_indices = #map1}, {transform_indices = #map}, {transform_indices = #map1}]} {
    %mul3A = arith.constant 625 : i32
    %mul3A_0 = arith.muli %arg1, %mul3A : i32
    %mul3A_1 = arith.constant 625 : i32
    %mul3A_2 = arith.muli %arg1, %mul3A_1 : i32
    %dma_start3A = arith.constant 0 : i32
    %dma_start3A_3 = tpu.memref_slice %arg15[%mul3A_2, %dma_start3A] : memref<10000x64xf32, #tpu.memory_space<vmem_shared>> -> memref<625x64xf32, #tpu.memory_space<vmem_shared>>
    %dma_start3A_4 = arith.constant 0 : i32
    %dma_start3A_5 = tpu.memref_slice %arg6[%mul3A_0, %dma_start3A_4] : memref<10000x64xf32, #tpu.memory_space<hbm>> -> memref<625x64xf32, #tpu.memory_space<hbm>>
    tpu.enqueue_dma source(%dma_start3A_5 : memref<625x64xf32, #tpu.memory_space<hbm>>) target(%dma_start3A_3 : memref<625x64xf32, #tpu.memory_space<vmem_shared>>) target_semaphore(%arg14 : memref<!tpu.dma_semaphore, #tpu.memory_space<semaphore_mem>>)
    %dma_start3A_6 = arith.constant 0 : i32
    %dma_start3A_7 = arith.constant 0 : i32
    %dma_start3A_8 = tpu.memref_slice %arg4[%arg1, %dma_start3A_6, %dma_start3A_7] : memref<16x500x80xi32, #tpu.memory_space<hbm>> -> memref<1x500x80xi32, #tpu.memory_space<hbm>>
    %dma_start3A_9 = tpu.memref_squeeze %dma_start3A_8 : memref<1x500x80xi32, #tpu.memory_space<hbm>> -> memref<500x80xi32, #tpu.memory_space<hbm>>
    %dma_start3A_10 = arith.constant 0 : i32
    %dma_start3A_11 = arith.constant 0 : i32
    %dma_start3A_12 = tpu.memref_slice %arg4[%arg1, %dma_start3A_10, %dma_start3A_11] : memref<16x500x80xi32, #tpu.memory_space<hbm>> -> memref<1x500x80xi32, #tpu.memory_space<hbm>>
    %dma_start3A_13 = tpu.memref_squeeze %dma_start3A_12 : memref<1x500x80xi32, #tpu.memory_space<hbm>> -> memref<500x80xi32, #tpu.memory_space<hbm>>
    tpu.enqueue_dma source(%dma_start3A_13 : memref<500x80xi32, #tpu.memory_space<hbm>>) target(%arg8 : memref<500x80xi32, #tpu.memory_space<vmem>>) target_semaphore(%arg12 : memref<!tpu.dma_semaphore, #tpu.memory_space<semaphore_mem>>)
    %dma_start3A_14 = arith.constant 0 : i32
    %dma_start3A_15 = arith.constant 0 : i32
    %dma_start3A_16 = tpu.memref_slice %arg5[%arg1, %dma_start3A_14, %dma_start3A_15] : memref<16x500x80xi32, #tpu.memory_space<hbm>> -> memref<1x500x80xi32, #tpu.memory_space<hbm>>
    %dma_start3A_17 = tpu.memref_squeeze %dma_start3A_16 : memref<1x500x80xi32, #tpu.memory_space<hbm>> -> memref<500x80xi32, #tpu.memory_space<hbm>>
    %dma_start3A_18 = arith.constant 0 : i32
    %dma_start3A_19 = arith.constant 0 : i32
    %dma_start3A_20 = tpu.memref_slice %arg5[%arg1, %dma_start3A_18, %dma_start3A_19] : memref<16x500x80xi32, #tpu.memory_space<hbm>> -> memref<1x500x80xi32, #tpu.memory_space<hbm>>
    %dma_start3A_21 = tpu.memref_squeeze %dma_start3A_20 : memref<1x500x80xi32, #tpu.memory_space<hbm>> -> memref<500x80xi32, #tpu.memory_space<hbm>>
    tpu.enqueue_dma source(%dma_start3A_21 : memref<500x80xi32, #tpu.memory_space<hbm>>) target(%arg9 : memref<500x80xi32, #tpu.memory_space<vmem>>) target_semaphore(%arg13 : memref<!tpu.dma_semaphore, #tpu.memory_space<semaphore_mem>>)
    %dma_wait3A = arith.constant 0 : i32
    %dma_wait3A_22 = arith.constant 0 : i32
    %dma_wait3A_23 = tpu.memref_slice %arg4[%arg1, %dma_wait3A, %dma_wait3A_22] : memref<16x500x80xi32, #tpu.memory_space<hbm>> -> memref<1x500x80xi32, #tpu.memory_space<hbm>>
    %dma_wait3A_24 = tpu.memref_squeeze %dma_wait3A_23 : memref<1x500x80xi32, #tpu.memory_space<hbm>> -> memref<500x80xi32, #tpu.memory_space<hbm>>
    %dma_wait3A_25 = arith.constant 0 : i32
    %dma_wait3A_26 = arith.constant 0 : i32
    %dma_wait3A_27 = tpu.memref_slice %arg4[%arg1, %dma_wait3A_25, %dma_wait3A_26] : memref<16x500x80xi32, #tpu.memory_space<hbm>> -> memref<1x500x80xi32, #tpu.memory_space<hbm>>
    %dma_wait3A_28 = tpu.memref_squeeze %dma_wait3A_27 : memref<1x500x80xi32, #tpu.memory_space<hbm>> -> memref<500x80xi32, #tpu.memory_space<hbm>>
    tpu.wait_dma2 semaphore(%arg12 : memref<!tpu.dma_semaphore, #tpu.memory_space<semaphore_mem>>) src(%dma_wait3A_28 : memref<500x80xi32, #tpu.memory_space<hbm>>) dst(%arg8 : memref<500x80xi32, #tpu.memory_space<vmem>>)
    %dma_wait3A_29 = arith.constant 0 : i32
    %dma_wait3A_30 = arith.constant 0 : i32
    %dma_wait3A_31 = tpu.memref_slice %arg5[%arg1, %dma_wait3A_29, %dma_wait3A_30] : memref<16x500x80xi32, #tpu.memory_space<hbm>> -> memref<1x500x80xi32, #tpu.memory_space<hbm>>
    %dma_wait3A_32 = tpu.memref_squeeze %dma_wait3A_31 : memref<1x500x80xi32, #tpu.memory_space<hbm>> -> memref<500x80xi32, #tpu.memory_space<hbm>>
    %dma_wait3A_33 = arith.constant 0 : i32
    %dma_wait3A_34 = arith.constant 0 : i32
    %dma_wait3A_35 = tpu.memref_slice %arg5[%arg1, %dma_wait3A_33, %dma_wait3A_34] : memref<16x500x80xi32, #tpu.memory_space<hbm>> -> memref<1x500x80xi32, #tpu.memory_space<hbm>>
    %dma_wait3A_36 = tpu.memref_squeeze %dma_wait3A_35 : memref<1x500x80xi32, #tpu.memory_space<hbm>> -> memref<500x80xi32, #tpu.memory_space<hbm>>
    tpu.wait_dma2 semaphore(%arg13 : memref<!tpu.dma_semaphore, #tpu.memory_space<semaphore_mem>>) src(%dma_wait3A_36 : memref<500x80xi32, #tpu.memory_space<hbm>>) dst(%arg9 : memref<500x80xi32, #tpu.memory_space<vmem>>)
    %dma_wait3A_37 = arith.constant 0 : i32
    %dma_wait3A_38 = tpu.memref_slice %arg15[%mul3A_2, %dma_wait3A_37] : memref<10000x64xf32, #tpu.memory_space<vmem_shared>> -> memref<625x64xf32, #tpu.memory_space<vmem_shared>>
    %dma_wait3A_39 = arith.constant 0 : i32
    %dma_wait3A_40 = tpu.memref_slice %arg6[%mul3A_0, %dma_wait3A_39] : memref<10000x64xf32, #tpu.memory_space<hbm>> -> memref<625x64xf32, #tpu.memory_space<hbm>>
    tpu.wait_dma2 semaphore(%arg14 : memref<!tpu.dma_semaphore, #tpu.memory_space<semaphore_mem>>) src(%dma_wait3A_40 : memref<625x64xf32, #tpu.memory_space<hbm>>) dst(%dma_wait3A_38 : memref<625x64xf32, #tpu.memory_space<vmem_shared>>)
    %eq3A = arith.constant 0 : i32
    %eq3A_41 = arith.cmpi eq, %arg0, %eq3A : i32
    %convert_element_type3A = arith.extui %eq3A_41 : i1 to i32
    %cond3A = arith.constant 0 : i32
    %cond3A_42 = arith.cmpi ne, %convert_element_type3A, %cond3A : i32
    scf.if %cond3A_42 {
      %dma_start3A_48 = arith.constant 0 : i32
      %dma_start3A_49 = arith.constant 0 : i32
      %dma_start3A_50 = tpu.memref_slice %arg8[%dma_start3A_48, %dma_start3A_49] : memref<500x80xi32, #tpu.memory_space<vmem>> -> memref<1x80xi32, #tpu.memory_space<vmem>>
      %dma_start3A_51 = tpu.memref_squeeze %dma_start3A_50 : memref<1x80xi32, #tpu.memory_space<vmem>> -> memref<80xi32, #tpu.memory_space<vmem>>
      %dma_start3A_52 = arith.constant 0 : i32
      %dma_start3A_53 = arith.constant 0 : i32
      %dma_start3A_54 = tpu.memref_slice %arg2[%dma_start3A_52, %dma_start3A_53] : memref<10000x64xf32, #tpu.memory_space<hbm>> -> memref<10000x64xf32, #tpu.memory_space<hbm>>
      tpu.enqueue_indirect_dma source(%dma_start3A_54 : memref<10000x64xf32, #tpu.memory_space<hbm>>) target(%arg10 : memref<80x64xf32, #tpu.memory_space<vmem>>) offsets(%dma_start3A_51 : memref<80xi32, #tpu.memory_space<vmem>>) semaphore(%arg12 : memref<!tpu.dma_semaphore, #tpu.memory_space<semaphore_mem>>)
      %dma_start3A_55 = arith.constant 1 : i32
      %dma_start3A_56 = arith.constant 0 : i32
      %dma_start3A_57 = tpu.memref_slice %arg8[%dma_start3A_55, %dma_start3A_56] : memref<500x80xi32, #tpu.memory_space<vmem>> -> memref<1x80xi32, #tpu.memory_space<vmem>>
      %dma_start3A_58 = tpu.memref_squeeze %dma_start3A_57 : memref<1x80xi32, #tpu.memory_space<vmem>> -> memref<80xi32, #tpu.memory_space<vmem>>
      %dma_start3A_59 = arith.constant 0 : i32
      %dma_start3A_60 = arith.constant 0 : i32
      %dma_start3A_61 = tpu.memref_slice %arg2[%dma_start3A_59, %dma_start3A_60] : memref<10000x64xf32, #tpu.memory_space<hbm>> -> memref<10000x64xf32, #tpu.memory_space<hbm>>
      tpu.enqueue_indirect_dma source(%dma_start3A_61 : memref<10000x64xf32, #tpu.memory_space<hbm>>) target(%arg11 : memref<80x64xf32, #tpu.memory_space<vmem>>) offsets(%dma_start3A_58 : memref<80xi32, #tpu.memory_space<vmem>>) semaphore(%arg13 : memref<!tpu.dma_semaphore, #tpu.memory_space<semaphore_mem>>)
      %barrier3A = arith.constant 0 : index
      tpu.barrier barrier_id(%barrier3A)
      %scan3A = arith.constant 0 : i32
      %scan3A_62 = arith.constant 0 : i32
      %scan3A_63 = arith.constant 250 : i32
      %scan3A_64 = arith.addi %scan3A_62, %scan3A_63 : i32
      %scan3A_65 = arith.constant 1 : i32
      scf.for %scan3A_72 = %scan3A_62 to %scan3A_64 step %scan3A_65  : i32 {
        %mul3A_73 = arith.constant 2 : i32
        %mul3A_74 = arith.muli %mul3A_73, %scan3A_72 : i32
        %dma_wait3A_75 = arith.constant 0 : i32
        %dma_wait3A_76 = tpu.memref_slice %arg8[%mul3A_74, %dma_wait3A_75] : memref<500x80xi32, #tpu.memory_space<vmem>> -> memref<1x80xi32, #tpu.memory_space<vmem>>
        %dma_wait3A_77 = tpu.memref_squeeze %dma_wait3A_76 : memref<1x80xi32, #tpu.memory_space<vmem>> -> memref<80xi32, #tpu.memory_space<vmem>>
        %dma_wait3A_78 = arith.constant 0 : i32
        %dma_wait3A_79 = arith.constant 0 : i32
        %dma_wait3A_80 = tpu.memref_slice %arg2[%dma_wait3A_78, %dma_wait3A_79] : memref<10000x64xf32, #tpu.memory_space<hbm>> -> memref<10000x64xf32, #tpu.memory_space<hbm>>
        tpu.wait_indirect_dma semaphore(%arg12 : memref<!tpu.dma_semaphore, #tpu.memory_space<semaphore_mem>>) src(%dma_wait3A_80 : memref<10000x64xf32, #tpu.memory_space<hbm>>) dst(%arg10 : memref<80x64xf32, #tpu.memory_space<vmem>>)
        "tpu.region"() ({
          %run_scoped3A = tpu.sem_alloc : memref<!tpu.dma_semaphore, #tpu.memory_space<semaphore_mem>>
          %dma_start3A_103 = arith.constant 0 : i32
          %dma_start3A_104 = tpu.memref_slice %arg9[%mul3A_74, %dma_start3A_103] : memref<500x80xi32, #tpu.memory_space<vmem>> -> memref<1x80xi32, #tpu.memory_space<vmem>>
          %dma_start3A_105 = tpu.memref_squeeze %dma_start3A_104 : memref<1x80xi32, #tpu.memory_space<vmem>> -> memref<80xi32, #tpu.memory_space<vmem>>
          %dma_start3A_106 = arith.constant 0 : i32
          %dma_start3A_107 = arith.constant 0 : i32
          %dma_start3A_108 = tpu.memref_slice %arg15[%dma_start3A_106, %dma_start3A_107] : memref<10000x64xf32, #tpu.memory_space<vmem_shared>> -> memref<10000x64xf32, #tpu.memory_space<vmem_shared>>
          tpu.enqueue_indirect_dma source(%arg10 : memref<80x64xf32, #tpu.memory_space<vmem>>) target(%dma_start3A_108 : memref<10000x64xf32, #tpu.memory_space<vmem_shared>>) offsets(%dma_start3A_105 : memref<80xi32, #tpu.memory_space<vmem>>) semaphore(%run_scoped3A : memref<!tpu.dma_semaphore, #tpu.memory_space<semaphore_mem>>) {add = true}
          %dma_wait3A_109 = arith.constant 0 : i32
          %dma_wait3A_110 = tpu.memref_slice %arg9[%mul3A_74, %dma_wait3A_109] : memref<500x80xi32, #tpu.memory_space<vmem>> -> memref<1x80xi32, #tpu.memory_space<vmem>>
          %dma_wait3A_111 = tpu.memref_squeeze %dma_wait3A_110 : memref<1x80xi32, #tpu.memory_space<vmem>> -> memref<80xi32, #tpu.memory_space<vmem>>
          %dma_wait3A_112 = arith.constant 0 : i32
          %dma_wait3A_113 = arith.constant 0 : i32
          %dma_wait3A_114 = tpu.memref_slice %arg15[%dma_wait3A_112, %dma_wait3A_113] : memref<10000x64xf32, #tpu.memory_space<vmem_shared>> -> memref<10000x64xf32, #tpu.memory_space<vmem_shared>>
          tpu.wait_indirect_dma semaphore(%run_scoped3A : memref<!tpu.dma_semaphore, #tpu.memory_space<semaphore_mem>>) src(%arg10 : memref<80x64xf32, #tpu.memory_space<vmem>>) dst(%dma_wait3A_114 : memref<10000x64xf32, #tpu.memory_space<vmem_shared>>)
          tpu.yield
        }) : () -> ()
        %add3A = arith.constant 2 : i32
        %add3A_81 = arith.addi %mul3A_74, %add3A : i32
        %lt3A = arith.constant 500 : i32
        %lt3A_82 = arith.cmpi slt, %add3A_81, %lt3A : i32
        %convert_element_type3A_83 = arith.extui %lt3A_82 : i1 to i32
        %cond3A_84 = arith.constant 0 : i32
        %cond3A_85 = arith.cmpi ne, %convert_element_type3A_83, %cond3A_84 : i32
        scf.if %cond3A_85 {
          %add3A_103 = arith.constant 2 : i32
          %add3A_104 = arith.addi %mul3A_74, %add3A_103 : i32
          %dma_start3A_105 = arith.constant 0 : i32
          %dma_start3A_106 = tpu.memref_slice %arg8[%add3A_104, %dma_start3A_105] : memref<500x80xi32, #tpu.memory_space<vmem>> -> memref<1x80xi32, #tpu.memory_space<vmem>>
          %dma_start3A_107 = tpu.memref_squeeze %dma_start3A_106 : memref<1x80xi32, #tpu.memory_space<vmem>> -> memref<80xi32, #tpu.memory_space<vmem>>
          %dma_start3A_108 = arith.constant 0 : i32
          %dma_start3A_109 = arith.constant 0 : i32
          %dma_start3A_110 = tpu.memref_slice %arg2[%dma_start3A_108, %dma_start3A_109] : memref<10000x64xf32, #tpu.memory_space<hbm>> -> memref<10000x64xf32, #tpu.memory_space<hbm>>
          tpu.enqueue_indirect_dma source(%dma_start3A_110 : memref<10000x64xf32, #tpu.memory_space<hbm>>) target(%arg10 : memref<80x64xf32, #tpu.memory_space<vmem>>) offsets(%dma_start3A_107 : memref<80xi32, #tpu.memory_space<vmem>>) semaphore(%arg12 : memref<!tpu.dma_semaphore, #tpu.memory_space<semaphore_mem>>)
        } else {
        }
        %mul3A_86 = arith.constant 2 : i32
        %mul3A_87 = arith.muli %mul3A_86, %scan3A_72 : i32
        %add3A_88 = arith.constant 1 : i32
        %add3A_89 = arith.addi %mul3A_87, %add3A_88 : i32
        %dma_wait3A_90 = arith.constant 0 : i32
        %dma_wait3A_91 = tpu.memref_slice %arg8[%add3A_89, %dma_wait3A_90] : memref<500x80xi32, #tpu.memory_space<vmem>> -> memref<1x80xi32, #tpu.memory_space<vmem>>
        %dma_wait3A_92 = tpu.memref_squeeze %dma_wait3A_91 : memref<1x80xi32, #tpu.memory_space<vmem>> -> memref<80xi32, #tpu.memory_space<vmem>>
        %dma_wait3A_93 = arith.constant 0 : i32
        %dma_wait3A_94 = arith.constant 0 : i32
        %dma_wait3A_95 = tpu.memref_slice %arg2[%dma_wait3A_93, %dma_wait3A_94] : memref<10000x64xf32, #tpu.memory_space<hbm>> -> memref<10000x64xf32, #tpu.memory_space<hbm>>
        tpu.wait_indirect_dma semaphore(%arg13 : memref<!tpu.dma_semaphore, #tpu.memory_space<semaphore_mem>>) src(%dma_wait3A_95 : memref<10000x64xf32, #tpu.memory_space<hbm>>) dst(%arg11 : memref<80x64xf32, #tpu.memory_space<vmem>>)
        "tpu.region"() ({
          %run_scoped3A = tpu.sem_alloc : memref<!tpu.dma_semaphore, #tpu.memory_space<semaphore_mem>>
          %dma_start3A_103 = arith.constant 0 : i32
          %dma_start3A_104 = tpu.memref_slice %arg9[%add3A_89, %dma_start3A_103] : memref<500x80xi32, #tpu.memory_space<vmem>> -> memref<1x80xi32, #tpu.memory_space<vmem>>
          %dma_start3A_105 = tpu.memref_squeeze %dma_start3A_104 : memref<1x80xi32, #tpu.memory_space<vmem>> -> memref<80xi32, #tpu.memory_space<vmem>>
          %dma_start3A_106 = arith.constant 0 : i32
          %dma_start3A_107 = arith.constant 0 : i32
          %dma_start3A_108 = tpu.memref_slice %arg15[%dma_start3A_106, %dma_start3A_107] : memref<10000x64xf32, #tpu.memory_space<vmem_shared>> -> memref<10000x64xf32, #tpu.memory_space<vmem_shared>>
          tpu.enqueue_indirect_dma source(%arg11 : memref<80x64xf32, #tpu.memory_space<vmem>>) target(%dma_start3A_108 : memref<10000x64xf32, #tpu.memory_space<vmem_shared>>) offsets(%dma_start3A_105 : memref<80xi32, #tpu.memory_space<vmem>>) semaphore(%run_scoped3A : memref<!tpu.dma_semaphore, #tpu.memory_space<semaphore_mem>>) {add = true}
          %dma_wait3A_109 = arith.constant 0 : i32
          %dma_wait3A_110 = tpu.memref_slice %arg9[%add3A_89, %dma_wait3A_109] : memref<500x80xi32, #tpu.memory_space<vmem>> -> memref<1x80xi32, #tpu.memory_space<vmem>>
          %dma_wait3A_111 = tpu.memref_squeeze %dma_wait3A_110 : memref<1x80xi32, #tpu.memory_space<vmem>> -> memref<80xi32, #tpu.memory_space<vmem>>
          %dma_wait3A_112 = arith.constant 0 : i32
          %dma_wait3A_113 = arith.constant 0 : i32
          %dma_wait3A_114 = tpu.memref_slice %arg15[%dma_wait3A_112, %dma_wait3A_113] : memref<10000x64xf32, #tpu.memory_space<vmem_shared>> -> memref<10000x64xf32, #tpu.memory_space<vmem_shared>>
          tpu.wait_indirect_dma semaphore(%run_scoped3A : memref<!tpu.dma_semaphore, #tpu.memory_space<semaphore_mem>>) src(%arg11 : memref<80x64xf32, #tpu.memory_space<vmem>>) dst(%dma_wait3A_114 : memref<10000x64xf32, #tpu.memory_space<vmem_shared>>)
          tpu.yield
        }) : () -> ()
        %add3A_96 = arith.constant 2 : i32
        %add3A_97 = arith.addi %add3A_89, %add3A_96 : i32
        %lt3A_98 = arith.constant 500 : i32
        %lt3A_99 = arith.cmpi slt, %add3A_97, %lt3A_98 : i32
        %convert_element_type3A_100 = arith.extui %lt3A_99 : i1 to i32
        %cond3A_101 = arith.constant 0 : i32
        %cond3A_102 = arith.cmpi ne, %convert_element_type3A_100, %cond3A_101 : i32
        scf.if %cond3A_102 {
          %add3A_103 = arith.constant 2 : i32
          %add3A_104 = arith.addi %add3A_89, %add3A_103 : i32
          %dma_start3A_105 = arith.constant 0 : i32
          %dma_start3A_106 = tpu.memref_slice %arg8[%add3A_104, %dma_start3A_105] : memref<500x80xi32, #tpu.memory_space<vmem>> -> memref<1x80xi32, #tpu.memory_space<vmem>>
          %dma_start3A_107 = tpu.memref_squeeze %dma_start3A_106 : memref<1x80xi32, #tpu.memory_space<vmem>> -> memref<80xi32, #tpu.memory_space<vmem>>
          %dma_start3A_108 = arith.constant 0 : i32
          %dma_start3A_109 = arith.constant 0 : i32
          %dma_start3A_110 = tpu.memref_slice %arg2[%dma_start3A_108, %dma_start3A_109] : memref<10000x64xf32, #tpu.memory_space<hbm>> -> memref<10000x64xf32, #tpu.memory_space<hbm>>
          tpu.enqueue_indirect_dma source(%dma_start3A_110 : memref<10000x64xf32, #tpu.memory_space<hbm>>) target(%arg11 : memref<80x64xf32, #tpu.memory_space<vmem>>) offsets(%dma_start3A_107 : memref<80xi32, #tpu.memory_space<vmem>>) semaphore(%arg13 : memref<!tpu.dma_semaphore, #tpu.memory_space<semaphore_mem>>)
        } else {
        }
      }
      %scan3A_66 = arith.constant 250 : i32
      %barrier3A_67 = arith.constant 0 : index
      tpu.barrier barrier_id(%barrier3A_67)
      %mul3A_68 = arith.constant 625 : i32
      %mul3A_69 = arith.muli %arg1, %mul3A_68 : i32
      %mul3A_70 = arith.constant 625 : i32
      %mul3A_71 = arith.muli %arg1, %mul3A_70 : i32
      "tpu.region"() ({
        %run_scoped3A = tpu.sem_alloc : memref<!tpu.dma_semaphore, #tpu.memory_space<semaphore_mem>>
        %dma_start3A_72 = arith.constant 0 : i32
        %dma_start3A_73 = tpu.memref_slice %arg7[%arg0, %mul3A_71, %dma_start3A_72] : memref<2x10000x64xf32, #tpu.memory_space<hbm>> -> memref<1x625x64xf32, #tpu.memory_space<hbm>>
        %dma_start3A_74 = tpu.memref_squeeze %dma_start3A_73 : memref<1x625x64xf32, #tpu.memory_space<hbm>> -> memref<625x64xf32, #tpu.memory_space<hbm>>
        %dma_start3A_75 = arith.constant 0 : i32
        %dma_start3A_76 = tpu.memref_slice %arg15[%mul3A_69, %dma_start3A_75] : memref<10000x64xf32, #tpu.memory_space<vmem_shared>> -> memref<625x64xf32, #tpu.memory_space<vmem_shared>>
        tpu.enqueue_dma source(%dma_start3A_76 : memref<625x64xf32, #tpu.memory_space<vmem_shared>>) target(%dma_start3A_74 : memref<625x64xf32, #tpu.memory_space<hbm>>) target_semaphore(%run_scoped3A : memref<!tpu.dma_semaphore, #tpu.memory_space<semaphore_mem>>)
        %dma_wait3A_77 = arith.constant 0 : i32
        %dma_wait3A_78 = tpu.memref_slice %arg7[%arg0, %mul3A_71, %dma_wait3A_77] : memref<2x10000x64xf32, #tpu.memory_space<hbm>> -> memref<1x625x64xf32, #tpu.memory_space<hbm>>
        %dma_wait3A_79 = tpu.memref_squeeze %dma_wait3A_78 : memref<1x625x64xf32, #tpu.memory_space<hbm>> -> memref<625x64xf32, #tpu.memory_space<hbm>>
        %dma_wait3A_80 = arith.constant 0 : i32
        %dma_wait3A_81 = tpu.memref_slice %arg15[%mul3A_69, %dma_wait3A_80] : memref<10000x64xf32, #tpu.memory_space<vmem_shared>> -> memref<625x64xf32, #tpu.memory_space<vmem_shared>>
        tpu.wait_dma2 semaphore(%run_scoped3A : memref<!tpu.dma_semaphore, #tpu.memory_space<semaphore_mem>>) src(%dma_wait3A_81 : memref<625x64xf32, #tpu.memory_space<vmem_shared>>) dst(%dma_wait3A_79 : memref<625x64xf32, #tpu.memory_space<hbm>>)
        tpu.yield
      }) : () -> ()
    } else {
    }
    %eq3A_43 = arith.constant 1 : i32
    %eq3A_44 = arith.cmpi eq, %arg0, %eq3A_43 : i32
    %convert_element_type3A_45 = arith.extui %eq3A_44 : i1 to i32
    %cond3A_46 = arith.constant 0 : i32
    %cond3A_47 = arith.cmpi ne, %convert_element_type3A_45, %cond3A_46 : i32
    scf.if %cond3A_47 {
      %dma_start3A_48 = arith.constant 0 : i32
      %dma_start3A_49 = arith.constant 0 : i32
      %dma_start3A_50 = tpu.memref_slice %arg8[%dma_start3A_48, %dma_start3A_49] : memref<500x80xi32, #tpu.memory_space<vmem>> -> memref<1x80xi32, #tpu.memory_space<vmem>>
      %dma_start3A_51 = tpu.memref_squeeze %dma_start3A_50 : memref<1x80xi32, #tpu.memory_space<vmem>> -> memref<80xi32, #tpu.memory_space<vmem>>
      %dma_start3A_52 = arith.constant 0 : i32
      %dma_start3A_53 = arith.constant 0 : i32
      %dma_start3A_54 = tpu.memref_slice %arg3[%dma_start3A_52, %dma_start3A_53] : memref<10000x64xf32, #tpu.memory_space<hbm>> -> memref<10000x64xf32, #tpu.memory_space<hbm>>
      tpu.enqueue_indirect_dma source(%dma_start3A_54 : memref<10000x64xf32, #tpu.memory_space<hbm>>) target(%arg10 : memref<80x64xf32, #tpu.memory_space<vmem>>) offsets(%dma_start3A_51 : memref<80xi32, #tpu.memory_space<vmem>>) semaphore(%arg12 : memref<!tpu.dma_semaphore, #tpu.memory_space<semaphore_mem>>)
      %dma_start3A_55 = arith.constant 1 : i32
      %dma_start3A_56 = arith.constant 0 : i32
      %dma_start3A_57 = tpu.memref_slice %arg8[%dma_start3A_55, %dma_start3A_56] : memref<500x80xi32, #tpu.memory_space<vmem>> -> memref<1x80xi32, #tpu.memory_space<vmem>>
      %dma_start3A_58 = tpu.memref_squeeze %dma_start3A_57 : memref<1x80xi32, #tpu.memory_space<vmem>> -> memref<80xi32, #tpu.memory_space<vmem>>
      %dma_start3A_59 = arith.constant 0 : i32
      %dma_start3A_60 = arith.constant 0 : i32
      %dma_start3A_61 = tpu.memref_slice %arg3[%dma_start3A_59, %dma_start3A_60] : memref<10000x64xf32, #tpu.memory_space<hbm>> -> memref<10000x64xf32, #tpu.memory_space<hbm>>
      tpu.enqueue_indirect_dma source(%dma_start3A_61 : memref<10000x64xf32, #tpu.memory_space<hbm>>) target(%arg11 : memref<80x64xf32, #tpu.memory_space<vmem>>) offsets(%dma_start3A_58 : memref<80xi32, #tpu.memory_space<vmem>>) semaphore(%arg13 : memref<!tpu.dma_semaphore, #tpu.memory_space<semaphore_mem>>)
      %barrier3A = arith.constant 0 : index
      tpu.barrier barrier_id(%barrier3A)
      %scan3A = arith.constant 0 : i32
      %scan3A_62 = arith.constant 0 : i32
      %scan3A_63 = arith.constant 250 : i32
      %scan3A_64 = arith.addi %scan3A_62, %scan3A_63 : i32
      %scan3A_65 = arith.constant 1 : i32
      scf.for %scan3A_72 = %scan3A_62 to %scan3A_64 step %scan3A_65  : i32 {
        %mul3A_73 = arith.constant 2 : i32
        %mul3A_74 = arith.muli %mul3A_73, %scan3A_72 : i32
        %dma_wait3A_75 = arith.constant 0 : i32
        %dma_wait3A_76 = tpu.memref_slice %arg8[%mul3A_74, %dma_wait3A_75] : memref<500x80xi32, #tpu.memory_space<vmem>> -> memref<1x80xi32, #tpu.memory_space<vmem>>
        %dma_wait3A_77 = tpu.memref_squeeze %dma_wait3A_76 : memref<1x80xi32, #tpu.memory_space<vmem>> -> memref<80xi32, #tpu.memory_space<vmem>>
        %dma_wait3A_78 = arith.constant 0 : i32
        %dma_wait3A_79 = arith.constant 0 : i32
        %dma_wait3A_80 = tpu.memref_slice %arg3[%dma_wait3A_78, %dma_wait3A_79] : memref<10000x64xf32, #tpu.memory_space<hbm>> -> memref<10000x64xf32, #tpu.memory_space<hbm>>
        tpu.wait_indirect_dma semaphore(%arg12 : memref<!tpu.dma_semaphore, #tpu.memory_space<semaphore_mem>>) src(%dma_wait3A_80 : memref<10000x64xf32, #tpu.memory_space<hbm>>) dst(%arg10 : memref<80x64xf32, #tpu.memory_space<vmem>>)
        "tpu.region"() ({
          %run_scoped3A = tpu.sem_alloc : memref<!tpu.dma_semaphore, #tpu.memory_space<semaphore_mem>>
          %dma_start3A_103 = arith.constant 0 : i32
          %dma_start3A_104 = tpu.memref_slice %arg9[%mul3A_74, %dma_start3A_103] : memref<500x80xi32, #tpu.memory_space<vmem>> -> memref<1x80xi32, #tpu.memory_space<vmem>>
          %dma_start3A_105 = tpu.memref_squeeze %dma_start3A_104 : memref<1x80xi32, #tpu.memory_space<vmem>> -> memref<80xi32, #tpu.memory_space<vmem>>
          %dma_start3A_106 = arith.constant 0 : i32
          %dma_start3A_107 = arith.constant 0 : i32
          %dma_start3A_108 = tpu.memref_slice %arg15[%dma_start3A_106, %dma_start3A_107] : memref<10000x64xf32, #tpu.memory_space<vmem_shared>> -> memref<10000x64xf32, #tpu.memory_space<vmem_shared>>
          tpu.enqueue_indirect_dma source(%arg10 : memref<80x64xf32, #tpu.memory_space<vmem>>) target(%dma_start3A_108 : memref<10000x64xf32, #tpu.memory_space<vmem_shared>>) offsets(%dma_start3A_105 : memref<80xi32, #tpu.memory_space<vmem>>) semaphore(%run_scoped3A : memref<!tpu.dma_semaphore, #tpu.memory_space<semaphore_mem>>) {add = true}
          %dma_wait3A_109 = arith.constant 0 : i32
          %dma_wait3A_110 = tpu.memref_slice %arg9[%mul3A_74, %dma_wait3A_109] : memref<500x80xi32, #tpu.memory_space<vmem>> -> memref<1x80xi32, #tpu.memory_space<vmem>>
          %dma_wait3A_111 = tpu.memref_squeeze %dma_wait3A_110 : memref<1x80xi32, #tpu.memory_space<vmem>> -> memref<80xi32, #tpu.memory_space<vmem>>
          %dma_wait3A_112 = arith.constant 0 : i32
          %dma_wait3A_113 = arith.constant 0 : i32
          %dma_wait3A_114 = tpu.memref_slice %arg15[%dma_wait3A_112, %dma_wait3A_113] : memref<10000x64xf32, #tpu.memory_space<vmem_shared>> -> memref<10000x64xf32, #tpu.memory_space<vmem_shared>>
          tpu.wait_indirect_dma semaphore(%run_scoped3A : memref<!tpu.dma_semaphore, #tpu.memory_space<semaphore_mem>>) src(%arg10 : memref<80x64xf32, #tpu.memory_space<vmem>>) dst(%dma_wait3A_114 : memref<10000x64xf32, #tpu.memory_space<vmem_shared>>)
          tpu.yield
        }) : () -> ()
        %add3A = arith.constant 2 : i32
        %add3A_81 = arith.addi %mul3A_74, %add3A : i32
        %lt3A = arith.constant 500 : i32
        %lt3A_82 = arith.cmpi slt, %add3A_81, %lt3A : i32
        %convert_element_type3A_83 = arith.extui %lt3A_82 : i1 to i32
        %cond3A_84 = arith.constant 0 : i32
        %cond3A_85 = arith.cmpi ne, %convert_element_type3A_83, %cond3A_84 : i32
        scf.if %cond3A_85 {
          %add3A_103 = arith.constant 2 : i32
          %add3A_104 = arith.addi %mul3A_74, %add3A_103 : i32
          %dma_start3A_105 = arith.constant 0 : i32
          %dma_start3A_106 = tpu.memref_slice %arg8[%add3A_104, %dma_start3A_105] : memref<500x80xi32, #tpu.memory_space<vmem>> -> memref<1x80xi32, #tpu.memory_space<vmem>>
          %dma_start3A_107 = tpu.memref_squeeze %dma_start3A_106 : memref<1x80xi32, #tpu.memory_space<vmem>> -> memref<80xi32, #tpu.memory_space<vmem>>
          %dma_start3A_108 = arith.constant 0 : i32
          %dma_start3A_109 = arith.constant 0 : i32
          %dma_start3A_110 = tpu.memref_slice %arg3[%dma_start3A_108, %dma_start3A_109] : memref<10000x64xf32, #tpu.memory_space<hbm>> -> memref<10000x64xf32, #tpu.memory_space<hbm>>
          tpu.enqueue_indirect_dma source(%dma_start3A_110 : memref<10000x64xf32, #tpu.memory_space<hbm>>) target(%arg10 : memref<80x64xf32, #tpu.memory_space<vmem>>) offsets(%dma_start3A_107 : memref<80xi32, #tpu.memory_space<vmem>>) semaphore(%arg12 : memref<!tpu.dma_semaphore, #tpu.memory_space<semaphore_mem>>)
        } else {
        }
        %mul3A_86 = arith.constant 2 : i32
        %mul3A_87 = arith.muli %mul3A_86, %scan3A_72 : i32
        %add3A_88 = arith.constant 1 : i32
        %add3A_89 = arith.addi %mul3A_87, %add3A_88 : i32
        %dma_wait3A_90 = arith.constant 0 : i32
        %dma_wait3A_91 = tpu.memref_slice %arg8[%add3A_89, %dma_wait3A_90] : memref<500x80xi32, #tpu.memory_space<vmem>> -> memref<1x80xi32, #tpu.memory_space<vmem>>
        %dma_wait3A_92 = tpu.memref_squeeze %dma_wait3A_91 : memref<1x80xi32, #tpu.memory_space<vmem>> -> memref<80xi32, #tpu.memory_space<vmem>>
        %dma_wait3A_93 = arith.constant 0 : i32
        %dma_wait3A_94 = arith.constant 0 : i32
        %dma_wait3A_95 = tpu.memref_slice %arg3[%dma_wait3A_93, %dma_wait3A_94] : memref<10000x64xf32, #tpu.memory_space<hbm>> -> memref<10000x64xf32, #tpu.memory_space<hbm>>
        tpu.wait_indirect_dma semaphore(%arg13 : memref<!tpu.dma_semaphore, #tpu.memory_space<semaphore_mem>>) src(%dma_wait3A_95 : memref<10000x64xf32, #tpu.memory_space<hbm>>) dst(%arg11 : memref<80x64xf32, #tpu.memory_space<vmem>>)
        "tpu.region"() ({
          %run_scoped3A = tpu.sem_alloc : memref<!tpu.dma_semaphore, #tpu.memory_space<semaphore_mem>>
          %dma_start3A_103 = arith.constant 0 : i32
          %dma_start3A_104 = tpu.memref_slice %arg9[%add3A_89, %dma_start3A_103] : memref<500x80xi32, #tpu.memory_space<vmem>> -> memref<1x80xi32, #tpu.memory_space<vmem>>
          %dma_start3A_105 = tpu.memref_squeeze %dma_start3A_104 : memref<1x80xi32, #tpu.memory_space<vmem>> -> memref<80xi32, #tpu.memory_space<vmem>>
          %dma_start3A_106 = arith.constant 0 : i32
          %dma_start3A_107 = arith.constant 0 : i32
          %dma_start3A_108 = tpu.memref_slice %arg15[%dma_start3A_106, %dma_start3A_107] : memref<10000x64xf32, #tpu.memory_space<vmem_shared>> -> memref<10000x64xf32, #tpu.memory_space<vmem_shared>>
          tpu.enqueue_indirect_dma source(%arg11 : memref<80x64xf32, #tpu.memory_space<vmem>>) target(%dma_start3A_108 : memref<10000x64xf32, #tpu.memory_space<vmem_shared>>) offsets(%dma_start3A_105 : memref<80xi32, #tpu.memory_space<vmem>>) semaphore(%run_scoped3A : memref<!tpu.dma_semaphore, #tpu.memory_space<semaphore_mem>>) {add = true}
          %dma_wait3A_109 = arith.constant 0 : i32
          %dma_wait3A_110 = tpu.memref_slice %arg9[%add3A_89, %dma_wait3A_109] : memref<500x80xi32, #tpu.memory_space<vmem>> -> memref<1x80xi32, #tpu.memory_space<vmem>>
          %dma_wait3A_111 = tpu.memref_squeeze %dma_wait3A_110 : memref<1x80xi32, #tpu.memory_space<vmem>> -> memref<80xi32, #tpu.memory_space<vmem>>
          %dma_wait3A_112 = arith.constant 0 : i32
          %dma_wait3A_113 = arith.constant 0 : i32
          %dma_wait3A_114 = tpu.memref_slice %arg15[%dma_wait3A_112, %dma_wait3A_113] : memref<10000x64xf32, #tpu.memory_space<vmem_shared>> -> memref<10000x64xf32, #tpu.memory_space<vmem_shared>>
          tpu.wait_indirect_dma semaphore(%run_scoped3A : memref<!tpu.dma_semaphore, #tpu.memory_space<semaphore_mem>>) src(%arg11 : memref<80x64xf32, #tpu.memory_space<vmem>>) dst(%dma_wait3A_114 : memref<10000x64xf32, #tpu.memory_space<vmem_shared>>)
          tpu.yield
        }) : () -> ()
        %add3A_96 = arith.constant 2 : i32
        %add3A_97 = arith.addi %add3A_89, %add3A_96 : i32
        %lt3A_98 = arith.constant 500 : i32
        %lt3A_99 = arith.cmpi slt, %add3A_97, %lt3A_98 : i32
        %convert_element_type3A_100 = arith.extui %lt3A_99 : i1 to i32
        %cond3A_101 = arith.constant 0 : i32
        %cond3A_102 = arith.cmpi ne, %convert_element_type3A_100, %cond3A_101 : i32
        scf.if %cond3A_102 {
          %add3A_103 = arith.constant 2 : i32
          %add3A_104 = arith.addi %add3A_89, %add3A_103 : i32
          %dma_start3A_105 = arith.constant 0 : i32
          %dma_start3A_106 = tpu.memref_slice %arg8[%add3A_104, %dma_start3A_105] : memref<500x80xi32, #tpu.memory_space<vmem>> -> memref<1x80xi32, #tpu.memory_space<vmem>>
          %dma_start3A_107 = tpu.memref_squeeze %dma_start3A_106 : memref<1x80xi32, #tpu.memory_space<vmem>> -> memref<80xi32, #tpu.memory_space<vmem>>
          %dma_start3A_108 = arith.constant 0 : i32
          %dma_start3A_109 = arith.constant 0 : i32
          %dma_start3A_110 = tpu.memref_slice %arg3[%dma_start3A_108, %dma_start3A_109] : memref<10000x64xf32, #tpu.memory_space<hbm>> -> memref<10000x64xf32, #tpu.memory_space<hbm>>
          tpu.enqueue_indirect_dma source(%dma_start3A_110 : memref<10000x64xf32, #tpu.memory_space<hbm>>) target(%arg11 : memref<80x64xf32, #tpu.memory_space<vmem>>) offsets(%dma_start3A_107 : memref<80xi32, #tpu.memory_space<vmem>>) semaphore(%arg13 : memref<!tpu.dma_semaphore, #tpu.memory_space<semaphore_mem>>)
        } else {
        }
      }
      %scan3A_66 = arith.constant 250 : i32
      %barrier3A_67 = arith.constant 0 : index
      tpu.barrier barrier_id(%barrier3A_67)
      %mul3A_68 = arith.constant 625 : i32
      %mul3A_69 = arith.muli %arg1, %mul3A_68 : i32
      %mul3A_70 = arith.constant 625 : i32
      %mul3A_71 = arith.muli %arg1, %mul3A_70 : i32
      "tpu.region"() ({
        %run_scoped3A = tpu.sem_alloc : memref<!tpu.dma_semaphore, #tpu.memory_space<semaphore_mem>>
        %dma_start3A_72 = arith.constant 0 : i32
        %dma_start3A_73 = tpu.memref_slice %arg7[%arg0, %mul3A_71, %dma_start3A_72] : memref<2x10000x64xf32, #tpu.memory_space<hbm>> -> memref<1x625x64xf32, #tpu.memory_space<hbm>>
        %dma_start3A_74 = tpu.memref_squeeze %dma_start3A_73 : memref<1x625x64xf32, #tpu.memory_space<hbm>> -> memref<625x64xf32, #tpu.memory_space<hbm>>
        %dma_start3A_75 = arith.constant 0 : i32
        %dma_start3A_76 = tpu.memref_slice %arg15[%mul3A_69, %dma_start3A_75] : memref<10000x64xf32, #tpu.memory_space<vmem_shared>> -> memref<625x64xf32, #tpu.memory_space<vmem_shared>>
        tpu.enqueue_dma source(%dma_start3A_76 : memref<625x64xf32, #tpu.memory_space<vmem_shared>>) target(%dma_start3A_74 : memref<625x64xf32, #tpu.memory_space<hbm>>) target_semaphore(%run_scoped3A : memref<!tpu.dma_semaphore, #tpu.memory_space<semaphore_mem>>)
        %dma_wait3A_77 = arith.constant 0 : i32
        %dma_wait3A_78 = tpu.memref_slice %arg7[%arg0, %mul3A_71, %dma_wait3A_77] : memref<2x10000x64xf32, #tpu.memory_space<hbm>> -> memref<1x625x64xf32, #tpu.memory_space<hbm>>
        %dma_wait3A_79 = tpu.memref_squeeze %dma_wait3A_78 : memref<1x625x64xf32, #tpu.memory_space<hbm>> -> memref<625x64xf32, #tpu.memory_space<hbm>>
        %dma_wait3A_80 = arith.constant 0 : i32
        %dma_wait3A_81 = tpu.memref_slice %arg15[%mul3A_69, %dma_wait3A_80] : memref<10000x64xf32, #tpu.memory_space<vmem_shared>> -> memref<625x64xf32, #tpu.memory_space<vmem_shared>>
        tpu.wait_dma2 semaphore(%run_scoped3A : memref<!tpu.dma_semaphore, #tpu.memory_space<semaphore_mem>>) src(%dma_wait3A_81 : memref<625x64xf32, #tpu.memory_space<vmem_shared>>) dst(%dma_wait3A_79 : memref<625x64xf32, #tpu.memory_space<hbm>>)
        tpu.yield
      }) : () -> ()
    } else {
    }
    return
  }
}

module attributes {stable_mosaic.version = 14 : i64} {
  func.func @_prep_body(%arg0: memref<32x10240xf32, #tpu.memory_space<vmem>>, %arg1: memref<10000x128xf32, #tpu.memory_space<vmem>>, %arg2: memref<10000x1xf32, #tpu.memory_space<vmem>>, %arg3: memref<10000x64xf32, #tpu.memory_space<vmem>>, %arg4: memref<10000x64xf32, #tpu.memory_space<vmem>>) attributes {dimension_semantics = [], scalar_prefetch = 0 : i64, scratch_operands = 0 : i64, tpu.core_type = #tpu.core_type<tc>} {
    %broadcast_in_dim3A = arith.constant 1.000000e+00 : f32
    %broadcast_in_dim3A_0 = vector.broadcast %broadcast_in_dim3A : f32 to vector<32x1xf32>
    %get3A = arith.constant 0 : index
    %get3A_1 = arith.constant 0 : index
    %get3A_2 = vector.load %arg0[%get3A, %get3A_1] : memref<32x10240xf32, #tpu.memory_space<vmem>>, vector<32x10240xf32>
    %dot_general3A = arith.constant dense<0.000000e+00> : vector<10240x1xf32>
    %dot_general3A_3 = tpu.matmul %get3A_2, %broadcast_in_dim3A_0, %dot_general3A {dimension_numbers = #tpu.dot_dimension_numbers<[0], [0], [1], [1], [0, 1, 1, 1], [], []>, precision = #tpu.contract_precision<fp32>, transpose_lhs_hint = false} : vector<32x10240xf32>, vector<32x1xf32>, vector<10240x1xf32> -> vector<10240x1xf32>
    %add3A = arith.constant 1.000000e+00 : f32
    %add3A_4 = vector.broadcast %add3A : f32 to vector<10240x1xf32>
    %add3A_5 = arith.addf %dot_general3A_3, %add3A_4 : vector<10240x1xf32>
    %rsqrt3A = math.rsqrt %add3A_5 : vector<10240x1xf32>
    %slice3A = vector.extract_strided_slice %rsqrt3A {offsets = [0, 0], sizes = [10000, 1], strides = [1, 1]} : vector<10240x1xf32> to vector<10000x1xf32>
    %swap3A = arith.constant 0 : index
    %swap3A_6 = arith.constant 0 : index
    %swap3A_7 = vector.load %arg2[%swap3A, %swap3A_6] : memref<10000x1xf32, #tpu.memory_space<vmem>>, vector<10000x1xf32>
    tpu.vector_store %arg2[%swap3A, %swap3A_6], %slice3A {strides = array<i32>} : memref<10000x1xf32, #tpu.memory_space<vmem>>, vector<10000x1xf32>,
    %get3A_8 = arith.constant 0 : index
    %get3A_9 = arith.constant 0 : index
    %get3A_10 = vector.load %arg1[%get3A_8, %get3A_9] : memref<10000x128xf32, #tpu.memory_space<vmem>>, vector<10000x128xf32>
    %mul3A = vector.broadcast %slice3A : vector<10000x1xf32> to vector<10000x128xf32>
    %mul3A_11 = arith.mulf %get3A_10, %mul3A : vector<10000x128xf32>
    %slice3A_12 = vector.extract_strided_slice %mul3A_11 {offsets = [0, 0], sizes = [10000, 64], strides = [1, 1]} : vector<10000x128xf32> to vector<10000x64xf32>
    %swap3A_13 = arith.constant 0 : index
    %swap3A_14 = arith.constant 0 : index
    %swap3A_15 = vector.load %arg3[%swap3A_13, %swap3A_14] : memref<10000x64xf32, #tpu.memory_space<vmem>>, vector<10000x64xf32>
    tpu.vector_store %arg3[%swap3A_13, %swap3A_14], %slice3A_12 {strides = array<i32>} : memref<10000x64xf32, #tpu.memory_space<vmem>>, vector<10000x64xf32>,
    %slice3A_16 = vector.extract_strided_slice %mul3A_11 {offsets = [0, 64], sizes = [10000, 64], strides = [1, 1]} : vector<10000x128xf32> to vector<10000x64xf32>
    %swap3A_17 = arith.constant 0 : index
    %swap3A_18 = arith.constant 0 : index
    %swap3A_19 = vector.load %arg4[%swap3A_17, %swap3A_18] : memref<10000x64xf32, #tpu.memory_space<vmem>>, vector<10000x64xf32>
    tpu.vector_store %arg4[%swap3A_17, %swap3A_18], %slice3A_16 {strides = array<i32>} : memref<10000x64xf32, #tpu.memory_space<vmem>>, vector<10000x64xf32>,
    return
  }
}

module attributes {stable_mosaic.version = 14 : i64} {
  func.func @_mid_body(%arg0: memref<2x10000x64xf32, #tpu.memory_space<vmem>>, %arg1: memref<10000x64xf32, #tpu.memory_space<vmem>>, %arg2: memref<10000x64xf32, #tpu.memory_space<vmem>>, %arg3: memref<10000x1xf32, #tpu.memory_space<vmem>>, %arg4: memref<128x256xf32, #tpu.memory_space<vmem>>, %arg5: memref<256xf32, #tpu.memory_space<vmem>>, %arg6: memref<256xf32, #tpu.memory_space<vmem>>, %arg7: memref<256x128xf32, #tpu.memory_space<vmem>>, %arg8: memref<10000x64xf32, #tpu.memory_space<vmem>>, %arg9: memref<10000x64xf32, #tpu.memory_space<vmem>>) attributes {dimension_semantics = [], scalar_prefetch = 0 : i64, scratch_operands = 0 : i64, tpu.core_type = #tpu.core_type<tc>} {
    %get3A = arith.constant 0 : index
    %get3A_0 = arith.constant 0 : index
    %get3A_1 = vector.load %arg3[%get3A, %get3A_0] : memref<10000x1xf32, #tpu.memory_space<vmem>>, vector<10000x1xf32>
    %get3A_2 = arith.constant 0 : index
    %get3A_3 = arith.constant 0 : index
    %get3A_4 = arith.constant 0 : index
    %get3A_5 = vector.load %arg0[%get3A_2, %get3A_3, %get3A_4] : memref<2x10000x64xf32, #tpu.memory_space<vmem>>, vector<1x10000x64xf32>
    %get3A_6 = vector.shape_cast %get3A_5 : vector<1x10000x64xf32> to vector<10000x64xf32>
    %get3A_7 = arith.constant 0 : index
    %get3A_8 = arith.constant 0 : index
    %get3A_9 = vector.load %arg1[%get3A_7, %get3A_8] : memref<10000x64xf32, #tpu.memory_space<vmem>>, vector<10000x64xf32>
    %add3A = arith.addf %get3A_6, %get3A_9 : vector<10000x64xf32>
    %mul3A = vector.broadcast %get3A_1 : vector<10000x1xf32> to vector<10000x64xf32>
    %mul3A_10 = arith.mulf %add3A, %mul3A : vector<10000x64xf32>
    %get3A_11 = arith.constant 1 : index
    %get3A_12 = arith.constant 0 : index
    %get3A_13 = arith.constant 0 : index
    %get3A_14 = vector.load %arg0[%get3A_11, %get3A_12, %get3A_13] : memref<2x10000x64xf32, #tpu.memory_space<vmem>>, vector<1x10000x64xf32>
    %get3A_15 = vector.shape_cast %get3A_14 : vector<1x10000x64xf32> to vector<10000x64xf32>
    %get3A_16 = arith.constant 0 : index
    %get3A_17 = arith.constant 0 : index
    %get3A_18 = vector.load %arg2[%get3A_16, %get3A_17] : memref<10000x64xf32, #tpu.memory_space<vmem>>, vector<10000x64xf32>
    %add3A_19 = arith.addf %get3A_15, %get3A_18 : vector<10000x64xf32>
    %mul3A_20 = vector.broadcast %get3A_1 : vector<10000x1xf32> to vector<10000x64xf32>
    %mul3A_21 = arith.mulf %add3A_19, %mul3A_20 : vector<10000x64xf32>
    %get3A_22 = arith.constant 0 : index
    %get3A_23 = arith.constant 0 : index
    %get3A_24 = vector.load %arg4[%get3A_22, %get3A_23] : memref<128x256xf32, #tpu.memory_space<vmem>>, vector<64x256xf32>
    %dot_general3A = arith.constant dense<0.000000e+00> : vector<10000x256xf32>
    %dot_general3A_25 = tpu.matmul %mul3A_10, %get3A_24, %dot_general3A {dimension_numbers = #tpu.dot_dimension_numbers<[1], [0], [0], [1], [0, 0, 1, 1], [], []>, transpose_lhs_hint = false} : vector<10000x64xf32>, vector<64x256xf32>, vector<10000x256xf32> -> vector<10000x256xf32>
    %get3A_26 = arith.constant 64 : index
    %get3A_27 = arith.constant 0 : index
    %get3A_28 = vector.load %arg4[%get3A_26, %get3A_27] : memref<128x256xf32, #tpu.memory_space<vmem>>, vector<64x256xf32>
    %dot_general3A_29 = arith.constant dense<0.000000e+00> : vector<10000x256xf32>
    %dot_general3A_30 = tpu.matmul %mul3A_21, %get3A_28, %dot_general3A_29 {dimension_numbers = #tpu.dot_dimension_numbers<[1], [0], [0], [1], [0, 0, 1, 1], [], []>, transpose_lhs_hint = false} : vector<10000x64xf32>, vector<64x256xf32>, vector<10000x256xf32> -> vector<10000x256xf32>
    %add3A_31 = arith.addf %dot_general3A_25, %dot_general3A_30 : vector<10000x256xf32>
    %reduce_sum3A = arith.constant dense<0.000000e+00> : vector<256xf32>
    %reduce_sum3A_32 = vector.multi_reduction <add>, %add3A_31, %reduce_sum3A [0] : vector<10000x256xf32> to vector<256xf32>
    %broadcast_in_dim3A = vector.shape_cast %reduce_sum3A_32 : vector<256xf32> to vector<1x256xf32>
    %div3A = arith.constant 1.000000e+04 : f32
    %div3A_33 = vector.broadcast %div3A : f32 to vector<1x256xf32>
    %div3A_34 = arith.divf %broadcast_in_dim3A, %div3A_33 : vector<1x256xf32>
    %sub3A = vector.broadcast %div3A_34 : vector<1x256xf32> to vector<10000x256xf32>
    %sub3A_35 = arith.subf %add3A_31, %sub3A : vector<10000x256xf32>
    %mul3A_36 = arith.mulf %sub3A_35, %sub3A_35 : vector<10000x256xf32>
    %reduce_sum3A_37 = arith.constant dense<0.000000e+00> : vector<256xf32>
    %reduce_sum3A_38 = vector.multi_reduction <add>, %mul3A_36, %reduce_sum3A_37 [0] : vector<10000x256xf32> to vector<256xf32>
    %broadcast_in_dim3A_39 = vector.shape_cast %reduce_sum3A_38 : vector<256xf32> to vector<1x256xf32>
    %div3A_40 = arith.constant 1.000000e+04 : f32
    %div3A_41 = vector.broadcast %div3A_40 : f32 to vector<1x256xf32>
    %div3A_42 = arith.divf %broadcast_in_dim3A_39, %div3A_41 : vector<1x256xf32>
    %get3A_43 = arith.constant 0 : index
    %get3A_44 = vector.load %arg5[%get3A_43] : memref<256xf32, #tpu.memory_space<vmem>>, vector<256xf32>
    %add3A_45 = arith.constant 9.99999974E-6 : f32
    %add3A_46 = vector.broadcast %add3A_45 : f32 to vector<1x256xf32>
    %add3A_47 = arith.addf %div3A_42, %add3A_46 : vector<1x256xf32>
    %rsqrt3A = math.rsqrt %add3A_47 : vector<1x256xf32>
    %mul3A_48 = vector.broadcast %rsqrt3A : vector<1x256xf32> to vector<10000x256xf32>
    %mul3A_49 = arith.mulf %sub3A_35, %mul3A_48 : vector<10000x256xf32>
    %broadcast_in_dim3A_50 = vector.shape_cast %get3A_44 : vector<256xf32> to vector<1x256xf32>
    %mul3A_51 = vector.broadcast %broadcast_in_dim3A_50 : vector<1x256xf32> to vector<10000x256xf32>
    %mul3A_52 = arith.mulf %mul3A_51, %mul3A_49 : vector<10000x256xf32>
    %get3A_53 = arith.constant 0 : index
    %get3A_54 = vector.load %arg6[%get3A_53] : memref<256xf32, #tpu.memory_space<vmem>>, vector<256xf32>
    %broadcast_in_dim3A_55 = vector.shape_cast %get3A_54 : vector<256xf32> to vector<1x256xf32>
    %add3A_56 = vector.broadcast %broadcast_in_dim3A_55 : vector<1x256xf32> to vector<10000x256xf32>
    %add3A_57 = arith.addf %mul3A_52, %add3A_56 : vector<10000x256xf32>
    %max3A = arith.constant 0.000000e+00 : f32
    %max3A_58 = vector.broadcast %max3A : f32 to vector<10000x256xf32>
    %max3A_59 = arith.maximumf %add3A_57, %max3A_58 : vector<10000x256xf32>
    %get3A_60 = arith.constant 0 : index
    %get3A_61 = arith.constant 0 : index
    %get3A_62 = vector.load %arg7[%get3A_60, %get3A_61] : memref<256x128xf32, #tpu.memory_space<vmem>>, vector<256x64xf32>
    %dot_general3A_63 = arith.constant dense<0.000000e+00> : vector<10000x64xf32>
    %dot_general3A_64 = tpu.matmul %max3A_59, %get3A_62, %dot_general3A_63 {dimension_numbers = #tpu.dot_dimension_numbers<[1], [0], [0], [1], [0, 0, 1, 1], [], []>, transpose_lhs_hint = false} : vector<10000x256xf32>, vector<256x64xf32>, vector<10000x64xf32> -> vector<10000x64xf32>
    %mul3A_65 = vector.broadcast %get3A_1 : vector<10000x1xf32> to vector<10000x64xf32>
    %mul3A_66 = arith.mulf %dot_general3A_64, %mul3A_65 : vector<10000x64xf32>
    %swap3A = arith.constant 0 : index
    %swap3A_67 = arith.constant 0 : index
    %swap3A_68 = vector.load %arg8[%swap3A, %swap3A_67] : memref<10000x64xf32, #tpu.memory_space<vmem>>, vector<10000x64xf32>
    tpu.vector_store %arg8[%swap3A, %swap3A_67], %mul3A_66 {strides = array<i32>} : memref<10000x64xf32, #tpu.memory_space<vmem>>, vector<10000x64xf32>,
    %get3A_69 = arith.constant 0 : index
    %get3A_70 = arith.constant 64 : index
    %get3A_71 = vector.load %arg7[%get3A_69, %get3A_70] : memref<256x128xf32, #tpu.memory_space<vmem>>, vector<256x64xf32>
    %dot_general3A_72 = arith.constant dense<0.000000e+00> : vector<10000x64xf32>
    %dot_general3A_73 = tpu.matmul %max3A_59, %get3A_71, %dot_general3A_72 {dimension_numbers = #tpu.dot_dimension_numbers<[1], [0], [0], [1], [0, 0, 1, 1], [], []>, transpose_lhs_hint = false} : vector<10000x256xf32>, vector<256x64xf32>, vector<10000x64xf32> -> vector<10000x64xf32>
    %mul3A_74 = vector.broadcast %get3A_1 : vector<10000x1xf32> to vector<10000x64xf32>
    %mul3A_75 = arith.mulf %dot_general3A_73, %mul3A_74 : vector<10000x64xf32>
    %swap3A_76 = arith.constant 0 : index
    %swap3A_77 = arith.constant 0 : index
    %swap3A_78 = vector.load %arg9[%swap3A_76, %swap3A_77] : memref<10000x64xf32, #tpu.memory_space<vmem>>, vector<10000x64xf32>
    tpu.vector_store %arg9[%swap3A_76, %swap3A_77], %mul3A_75 {strides = array<i32>} : memref<10000x64xf32, #tpu.memory_space<vmem>>, vector<10000x64xf32>,
    return
  }
}

module attributes {stable_mosaic.version = 14 : i64} {
  func.func @_fin_body(%arg0: memref<2x10000x64xf32, #tpu.memory_space<vmem>>, %arg1: memref<10000x64xf32, #tpu.memory_space<vmem>>, %arg2: memref<10000x64xf32, #tpu.memory_space<vmem>>, %arg3: memref<10000x1xf32, #tpu.memory_space<vmem>>, %arg4: memref<128xf32, #tpu.memory_space<vmem>>, %arg5: memref<128xf32, #tpu.memory_space<vmem>>, %arg6: memref<10000x128xf32, #tpu.memory_space<vmem>>) attributes {dimension_semantics = [], scalar_prefetch = 0 : i64, scratch_operands = 0 : i64, tpu.core_type = #tpu.core_type<tc>} {
    %get3A = arith.constant 0 : index
    %get3A_0 = arith.constant 0 : index
    %get3A_1 = vector.load %arg3[%get3A, %get3A_0] : memref<10000x1xf32, #tpu.memory_space<vmem>>, vector<10000x1xf32>
    %get3A_2 = arith.constant 0 : index
    %get3A_3 = arith.constant 0 : index
    %get3A_4 = arith.constant 0 : index
    %get3A_5 = vector.load %arg0[%get3A_2, %get3A_3, %get3A_4] : memref<2x10000x64xf32, #tpu.memory_space<vmem>>, vector<1x10000x64xf32>
    %get3A_6 = vector.shape_cast %get3A_5 : vector<1x10000x64xf32> to vector<10000x64xf32>
    %get3A_7 = arith.constant 1 : index
    %get3A_8 = arith.constant 0 : index
    %get3A_9 = arith.constant 0 : index
    %get3A_10 = vector.load %arg0[%get3A_7, %get3A_8, %get3A_9] : memref<2x10000x64xf32, #tpu.memory_space<vmem>>, vector<1x10000x64xf32>
    %get3A_11 = vector.shape_cast %get3A_10 : vector<1x10000x64xf32> to vector<10000x64xf32>
    %get3A_12 = arith.constant 0 : index
    %get3A_13 = arith.constant 0 : index
    %get3A_14 = vector.load %arg1[%get3A_12, %get3A_13] : memref<10000x64xf32, #tpu.memory_space<vmem>>, vector<10000x64xf32>
    %add3A = arith.addf %get3A_6, %get3A_14 : vector<10000x64xf32>
    %mul3A = vector.broadcast %get3A_1 : vector<10000x1xf32> to vector<10000x64xf32>
    %mul3A_15 = arith.mulf %add3A, %mul3A : vector<10000x64xf32>
    %reduce_sum3A = arith.constant dense<0.000000e+00> : vector<64xf32>
    %reduce_sum3A_16 = vector.multi_reduction <add>, %mul3A_15, %reduce_sum3A [0] : vector<10000x64xf32> to vector<64xf32>
    %broadcast_in_dim3A = vector.shape_cast %reduce_sum3A_16 : vector<64xf32> to vector<1x64xf32>
    %div3A = arith.constant 1.000000e+04 : f32
    %div3A_17 = vector.broadcast %div3A : f32 to vector<1x64xf32>
    %div3A_18 = arith.divf %broadcast_in_dim3A, %div3A_17 : vector<1x64xf32>
    %sub3A = vector.broadcast %div3A_18 : vector<1x64xf32> to vector<10000x64xf32>
    %sub3A_19 = arith.subf %mul3A_15, %sub3A : vector<10000x64xf32>
    %mul3A_20 = arith.mulf %sub3A_19, %sub3A_19 : vector<10000x64xf32>
    %reduce_sum3A_21 = arith.constant dense<0.000000e+00> : vector<64xf32>
    %reduce_sum3A_22 = vector.multi_reduction <add>, %mul3A_20, %reduce_sum3A_21 [0] : vector<10000x64xf32> to vector<64xf32>
    %broadcast_in_dim3A_23 = vector.shape_cast %reduce_sum3A_22 : vector<64xf32> to vector<1x64xf32>
    %div3A_24 = arith.constant 1.000000e+04 : f32
    %div3A_25 = vector.broadcast %div3A_24 : f32 to vector<1x64xf32>
    %div3A_26 = arith.divf %broadcast_in_dim3A_23, %div3A_25 : vector<1x64xf32>
    %get3A_27 = arith.constant 0 : index
    %get3A_28 = vector.load %arg4[%get3A_27] : memref<128xf32, #tpu.memory_space<vmem>>, vector<64xf32>
    %add3A_29 = arith.constant 9.99999974E-6 : f32
    %add3A_30 = vector.broadcast %add3A_29 : f32 to vector<1x64xf32>
    %add3A_31 = arith.addf %div3A_26, %add3A_30 : vector<1x64xf32>
    %rsqrt3A = math.rsqrt %add3A_31 : vector<1x64xf32>
    %mul3A_32 = vector.broadcast %rsqrt3A : vector<1x64xf32> to vector<10000x64xf32>
    %mul3A_33 = arith.mulf %sub3A_19, %mul3A_32 : vector<10000x64xf32>
    %broadcast_in_dim3A_34 = vector.shape_cast %get3A_28 : vector<64xf32> to vector<1x64xf32>
    %mul3A_35 = vector.broadcast %broadcast_in_dim3A_34 : vector<1x64xf32> to vector<10000x64xf32>
    %mul3A_36 = arith.mulf %mul3A_35, %mul3A_33 : vector<10000x64xf32>
    %get3A_37 = arith.constant 0 : index
    %get3A_38 = vector.load %arg5[%get3A_37] : memref<128xf32, #tpu.memory_space<vmem>>, vector<64xf32>
    %broadcast_in_dim3A_39 = vector.shape_cast %get3A_38 : vector<64xf32> to vector<1x64xf32>
    %add3A_40 = vector.broadcast %broadcast_in_dim3A_39 : vector<1x64xf32> to vector<10000x64xf32>
    %add3A_41 = arith.addf %mul3A_36, %add3A_40 : vector<10000x64xf32>
    %swap3A = arith.constant 0 : index
    %swap3A_42 = arith.constant 0 : index
    %swap3A_43 = vector.load %arg6[%swap3A, %swap3A_42] : memref<10000x128xf32, #tpu.memory_space<vmem>>, vector<10000x64xf32>
    tpu.vector_store %arg6[%swap3A, %swap3A_42], %add3A_41 {strides = array<i32>} : memref<10000x128xf32, #tpu.memory_space<vmem>>, vector<10000x64xf32>,
    %get3A_44 = arith.constant 0 : index
    %get3A_45 = arith.constant 0 : index
    %get3A_46 = vector.load %arg2[%get3A_44, %get3A_45] : memref<10000x64xf32, #tpu.memory_space<vmem>>, vector<10000x64xf32>
    %add3A_47 = arith.addf %get3A_11, %get3A_46 : vector<10000x64xf32>
    %mul3A_48 = vector.broadcast %get3A_1 : vector<10000x1xf32> to vector<10000x64xf32>
    %mul3A_49 = arith.mulf %add3A_47, %mul3A_48 : vector<10000x64xf32>
    %reduce_sum3A_50 = arith.constant dense<0.000000e+00> : vector<64xf32>
    %reduce_sum3A_51 = vector.multi_reduction <add>, %mul3A_49, %reduce_sum3A_50 [0] : vector<10000x64xf32> to vector<64xf32>
    %broadcast_in_dim3A_52 = vector.shape_cast %reduce_sum3A_51 : vector<64xf32> to vector<1x64xf32>
    %div3A_53 = arith.constant 1.000000e+04 : f32
    %div3A_54 = vector.broadcast %div3A_53 : f32 to vector<1x64xf32>
    %div3A_55 = arith.divf %broadcast_in_dim3A_52, %div3A_54 : vector<1x64xf32>
    %sub3A_56 = vector.broadcast %div3A_55 : vector<1x64xf32> to vector<10000x64xf32>
    %sub3A_57 = arith.subf %mul3A_49, %sub3A_56 : vector<10000x64xf32>
    %mul3A_58 = arith.mulf %sub3A_57, %sub3A_57 : vector<10000x64xf32>
    %reduce_sum3A_59 = arith.constant dense<0.000000e+00> : vector<64xf32>
    %reduce_sum3A_60 = vector.multi_reduction <add>, %mul3A_58, %reduce_sum3A_59 [0] : vector<10000x64xf32> to vector<64xf32>
    %broadcast_in_dim3A_61 = vector.shape_cast %reduce_sum3A_60 : vector<64xf32> to vector<1x64xf32>
    %div3A_62 = arith.constant 1.000000e+04 : f32
    %div3A_63 = vector.broadcast %div3A_62 : f32 to vector<1x64xf32>
    %div3A_64 = arith.divf %broadcast_in_dim3A_61, %div3A_63 : vector<1x64xf32>
    %get3A_65 = arith.constant 64 : index
    %get3A_66 = vector.load %arg4[%get3A_65] : memref<128xf32, #tpu.memory_space<vmem>>, vector<64xf32>
    %add3A_67 = arith.constant 9.99999974E-6 : f32
    %add3A_68 = vector.broadcast %add3A_67 : f32 to vector<1x64xf32>
    %add3A_69 = arith.addf %div3A_64, %add3A_68 : vector<1x64xf32>
    %rsqrt3A_70 = math.rsqrt %add3A_69 : vector<1x64xf32>
    %mul3A_71 = vector.broadcast %rsqrt3A_70 : vector<1x64xf32> to vector<10000x64xf32>
    %mul3A_72 = arith.mulf %sub3A_57, %mul3A_71 : vector<10000x64xf32>
    %broadcast_in_dim3A_73 = vector.shape_cast %get3A_66 : vector<64xf32> to vector<1x64xf32>
    %mul3A_74 = vector.broadcast %broadcast_in_dim3A_73 : vector<1x64xf32> to vector<10000x64xf32>
    %mul3A_75 = arith.mulf %mul3A_74, %mul3A_72 : vector<10000x64xf32>
    %get3A_76 = arith.constant 64 : index
    %get3A_77 = vector.load %arg5[%get3A_76] : memref<128xf32, #tpu.memory_space<vmem>>, vector<64xf32>
    %broadcast_in_dim3A_78 = vector.shape_cast %get3A_77 : vector<64xf32> to vector<1x64xf32>
    %add3A_79 = vector.broadcast %broadcast_in_dim3A_78 : vector<1x64xf32> to vector<10000x64xf32>
    %add3A_80 = arith.addf %mul3A_75, %add3A_79 : vector<10000x64xf32>
    %swap3A_81 = arith.constant 0 : index
    %swap3A_82 = arith.constant 64 : index
    %swap3A_83 = vector.load %arg6[%swap3A_81, %swap3A_82] : memref<10000x128xf32, #tpu.memory_space<vmem>>, vector<10000x64xf32>
    tpu.vector_store %arg6[%swap3A_81, %swap3A_82], %add3A_80 {strides = array<i32>} : memref<10000x128xf32, #tpu.memory_space<vmem>>, vector<10000x64xf32>,
    return
  }
}

</mosaic_0001>

<sc_bundles>
// kernel: kernel.11.cloned.1.call-start
scs
__scs_entry_jumppad:
0x0: {  	(pc) =	sbr.rel $0x88, $3  }
0x1: {  	(tag) =	ssettag $0x0;
	lr =	simm.s32 $0x1  }
0x2: {  	[smem:$0x3F99] =	sst lr;
	_ =	strace $0xD0000000  }
0x3: {  	_ = 	snop  }
0x4: {  	_ = 	snop  }
0x5: {  	_ = 	snop  }
0x6: {  	_ = 	snop  }
0x7: {  	_ = 	snop  }
__scs_overlays_trampoline_lowered:
0x8: {  	[smem:$0x3FA8] =	sst s0  }
0x9: {  	[smem:$0x3FA9] =	sst s1  }
0xa: {  	[smem:$0x3FAA] =	sst s2  }
0xb: {  	[smem:$0x3FAB] =	sst s3  }
0xc: {  	[smem:$0x3FAC] =	sst s4  }
0xd: {  	[smem:$0x3FAD] =	sst s5  }
0xe: {  	[smem:$0x3FAE] =	sst s6  }
0xf: {  	[smem:$0x3FAF] =	sst s7  }
0x10: {  	[smem:$0x3FB0] =	sst s8  }
0x11: {  	[smem:$0x3FB1] =	sst s9;
	s0 =	simm.s32 @!p0 $0x0  }
0x12: {  	s1 =	sld [smem:$0x3F97];
	s0 =	simm.s32 @p0 $0x1  }
0x13: {  	[smem:$0x3FB2] =	sst s0;
	s0 =	simm.s32 @!p1 $0x0  }
0x14: {  	s2 =	sld [smem:$0x3F96];
	s0 =	simm.s32 @p1 $0x1  }
0x15: {  	[smem:$0x3FB3] =	sst s0;
	s0 =	simm.s32 @!p2 $0x0  }
0x16: {  	s3 =	sld [smem:$0x3FDB];
	s0 =	simm.s32 @p2 $0x1  }
0x17: {  	s4 =	simm.s32 $0x1BF5;
	[smem:$0x3FB5] =	sst s0  }
0x18: {  	s0 =	sld [smem:$0x3F98];
	_ =	swait.ge [sflag:s4], $0x0  }
0x19: {  	s7 =	sld [smem:$0x3F99]  }
0x1a: {  	s8 =	sadd.s32 $0xFFFFE003, lr  }
0x1b: {  	s9 =	sadd.s32 $0xFFFFFEF7, lr;
	s5 =	simm.s32 $0xFFFFFFFF;
	p2 =	slt.u32 s8, $0xFFFFF086  }
0x1c: {  	p1 =	slt.u32 s9, $0xF7A;
	s5 =	simm.s32 @!p2 $0x0  }
0x1d: {  	s5 =	simm.s32 @p1 $0x1;
	p0 =	seq.s32 s7, s2  }
0x1e: {  	s7 =	smul.u32 @!p0 $0xF7A, s2;
	p2 =	seq.s32 @!p0 s5, $0x0  }
0x1f: {  	s9 =	smul.u32 $0xF7A, s1;
	s8 =	simm.s32 @!p0 $0x1BF5;
	p2 =	por !p2, p0  }
0x20: {  	[sflag:s8] =	ssyncset.s32 @!p0 $0xFFFFF086;
	s6 =	sadd.s32 @!p0 s3, s7;
	s7 =	simm.s32 @!p0 $0x108  }
0x21: {  	s3 =	sadd.s32 s3, s9;
	s6 =	sadd.s32 @!p0 $0x88, s6;
	s7 =	simm.s32 @p2 $0x1082  }
0x22: {  	[simem:s7], [sflag:s8] =	dma.local @!p0 [hbm:s6], $0xF7A  }
0x23: {  	s9 =	sor.u32 $0xD0000000, s2;
	s6 =	simm.s32 $0x108;
	_ =	swait.ge @!p0 [sflag:s8], $0x0  }
0x24: {  	s3 =	sadd.s32 $0x88, s3;
	s6 =	simm.s32 @!p1 $0x1082;
	[sflag:s4] =	ssyncset.s32 $0xFFFFF086  }
0x25: {  	[simem:s6], [sflag:s4] =	dma.local [hbm:s3], $0xF7A  }
0x26: {  	[smem:$0x3F99] =	sst s1;
	(tag) =	ssettag s2;
	_ =	strace s9  }
0x27: {  	s1 =	sld [smem:$0x3FA9]  }
0x28: {  	s2 =	sld [smem:$0x3FAA]  }
0x29: {  	s4 =	sld [smem:$0x3FAC]  }
0x2a: {  	p0 =	seq.s32 s5, $0x0;
	s5 =	sld [smem:$0x3FAD]  }
0x2b: {  	s6 =	sld [smem:$0x3FAE]  }
0x2c: {  	s7 =	sld [smem:$0x3FAF]  }
0x2d: {  	s3 =	simm.s32 $0x108;
	s8 =	sld [smem:$0x3FB0]  }
0x2e: {  	s3 =	simm.s32 @!p0 $0x1082;
	s9 =	sld [smem:$0x3FB1]  }
0x2f: {  	lr =	sadd.s32 s0, s3;
	s0 =	sld [smem:$0x3FA8]  }
0x30: {  	s3 =	sld [smem:$0x3FAB]  }
0x31: {  	[smem:$0x3FB4] =	sst s10  }
0x32: {  	s10 =	sld [smem:$0x3FB2];
	_ =	sdelay $0x3  }
0x33: {  	p0 =	seq.s32 s10, $0x1;
	s10 =	sld [smem:$0x3FB4];
	_ =	sdelay $0x3  }
0x34: {  	[smem:$0x3FB4] =	sst s10  }
0x35: {  	s10 =	sld [smem:$0x3FB3];
	_ =	sdelay $0x3  }
0x36: {  	p1 =	seq.s32 s10, $0x1;
	s10 =	sld [smem:$0x3FB4];
	_ =	sdelay $0x3  }
0x37: {  	[smem:$0x3FB4] =	sst s10  }
0x38: {  	s10 =	sld [smem:$0x3FB5]  }
0x39: {  	_ = 	snop;
	(pc) =	sbr.ind lr, $3  }
0x3a: {  	_ = 	snop  }
0x3b: {  	_ = 	snop  }
0x3c: {  	p2 =	seq.s32 s10, $0x1;
	s10 =	sld [smem:$0x3FB4]  }
0x3d: {  	_ =	shalt  }
0x3e: {  	_ =	shalt  }
0x3f: {  	_ =	shalt  }
0x40: {  	_ =	shalt  }
0x41: {  	_ =	shalt  }
0x42: {  	_ =	shalt  }
0x43: {  	_ =	shalt  }
0x44: {  	_ =	shalt  }
0x45: {  	_ =	shalt  }
0x46: {  	_ =	shalt  }
0x47: {  	_ =	shalt  }
0x48: {  	_ =	shalt  }
0x49: {  	_ =	shalt  }
0x4a: {  	_ =	shalt  }
0x4b: {  	_ =	shalt  }
0x4c: {  	_ =	shalt  }
0x4d: {  	_ =	shalt  }
0x4e: {  	_ =	shalt  }
0x4f: {  	_ =	shalt  }
0x50: {  	_ =	shalt  }
0x51: {  	_ =	shalt  }
0x52: {  	_ =	shalt  }
0x53: {  	_ =	shalt  }
0x54: {  	_ =	shalt  }
0x55: {  	_ =	shalt  }
0x56: {  	_ =	shalt  }
0x57: {  	_ =	shalt  }
0x58: {  	_ =	shalt  }
0x59: {  	_ =	shalt  }
0x5a: {  	_ =	shalt  }
0x5b: {  	_ =	shalt  }
0x5c: {  	_ =	shalt  }
0x5d: {  	_ =	shalt  }
0x5e: {  	_ =	shalt  }
0x5f: {  	_ =	shalt  }
0x60: {  	_ =	shalt  }
0x61: {  	_ =	shalt  }
0x62: {  	_ =	shalt  }
0x63: {  	_ =	shalt  }
0x64: {  	_ =	shalt  }
0x65: {  	_ =	shalt  }
0x66: {  	_ =	shalt  }
0x67: {  	_ =	shalt  }
0x68: {  	_ =	shalt  }
0x69: {  	_ =	shalt  }
0x6a: {  	_ =	shalt  }
0x6b: {  	_ =	shalt  }
0x6c: {  	_ =	shalt  }
0x6d: {  	_ =	shalt  }
0x6e: {  	_ =	shalt  }
0x6f: {  	_ =	shalt  }
0x70: {  	_ =	shalt  }
0x71: {  	_ =	shalt  }
0x72: {  	_ =	shalt  }
0x73: {  	_ =	shalt  }
0x74: {  	_ =	shalt  }
0x75: {  	_ =	shalt  }
0x76: {  	_ =	shalt  }
0x77: {  	_ =	shalt  }
0x78: {  	_ =	shalt  }
0x79: {  	_ =	shalt  }
0x7a: {  	_ =	shalt  }
0x7b: {  	_ =	shalt  }
0x7c: {  	_ =	shalt  }
0x7d: {  	_ =	shalt  }
0x7e: {  	_ =	shalt  }
0x7f: {  	_ =	shalt  }
0x80: {  	_ =	shalt  }
0x81: {  	_ =	shalt  }
0x82: {  	_ =	shalt  }
0x83: {  	_ =	shalt  }
0x84: {  	_ =	shalt  }
0x85: {  	_ =	shalt  }
0x86: {  	_ =	shalt  }
0x87: {  	_ =	shalt  }
.Lfunc_end0:
.L_simem_size_0:
called_computation.1_lowered:
.L_overlay_start_0:
0x88: {  	s2 =	sld [smem:$0x3FD9]  }
0x89: {  	s3 =	sld [smem:$0x3FFE];
	_ =	sdelay $0x1  }
0x8a: {  	s1 =	srdreg.scid  }
0x8b: {  	s0 =	sand.u32 $0x1, s1  }
0x8c: {  	s16 =	sshll.u32 s0, $0xA;
	s2 =	sadd.s32 s3, s2  }
0x8d: {  	s2 =	sadd.s32 s2, s16  }
0x8e: {  	[smem:$0x3FC0] =	sst s2  }
0x8f: {  	_ = 	snop  }
0x90: {  	(tm) =	ssettm $0x1  }
0x91: {  	s17 =	sld [smem:$0x3FFB];
	_ =	sdelay $0x3  }
0x92: {  	_ =	strace s17  }
0x93: {  	s2 =	sld [smem:$0x3FFC];
	_ =	sdelay $0x3  }
0x94: {  	_ =	strace s2  }
0x95: {  	s2 =	sld [smem:$0x3FFD];
	_ =	sdelay $0x3  }
0x96: {  	_ =	strace s2  }
0x97: {  	_ =	strace $0x8FFFFFFF  }
0x98: {  	s18 =	sld [smem:$0x3FDB];
	_ =	sdelay $0x1  }
0x99: {  	s19 =	simm.s32 $_scs_section_size  }
0x9a: {  	s4 =	simm.s32 $_size__tile_overlayer_lowered;
	s5 =	simm.s32 $_tile_overlayer_lowered  }
0x9b: {  	s22 =	simm.s32 $0x1BFF;
	s21 =	sshll.u32 s5, $0x1;
	s2 =	sadd.s32 s19, s18  }
0x9c: {  	s6 =	simm.s32 $0x0;
	s20 =	sshll.u32 s4, $0x1;
	s4 =	sadd.s32 s21, s2  }
0x9d: {  	[timem:s6], [sflag:s22] =	dma.local [hbm:s4], s20  }
0x9e: {  	_ =	swait.ge [sflag:s22], s20  }
0x9f: {  	s3 =	ssub.s32 $0x0, s20;
	[sflag:s22] =	ssyncset.done $0x0  }
0xa0: {  	[sflag:s22] =	ssyncadd.s32 s3;
	_ =	sdelay $0x1  }
0xa1: {  	s23 =	simm.s32 $0x1B8B  }
0xa2: {  	_ =	swait.ge [sflag:s23], $0x1  }
0xa3: {  	[sflag:s23] =	ssyncset.done $0x0  }
0xa4: {  	s25 =	simm.s32 $0x1B8E;
	s24 =	sld [smem:$0x3FFE];
	[sflag:s23] =	ssyncadd.s32 $0xFFFFFFFF  }
0xa5: {  	s26 =	simm.s32 $execute0_lowered;
	[smem:$0x3FD2] =	sst s25  }
0xa6: {  	s4 =	sshll.u32 s26, $0x1;
	_ =	strace $0x80000049;
	[dreg:$0x1] =	wrdreg $0xFFFFFFFF  }
0xa7: {  	s28 =	simm.s32 $_size_execute0_lowered;
	s2 =	sadd.s32 s2, s4;
	[dreg:$0x0] =	wrdreg $0x0  }
0xa8: {  	s4 =	sshll.u32 s28, $0x1;
	[dreg:$0x2] =	wrdreg s2  }
0xa9: {  	[dreg:$0x3] =	wrdreg s4  }
0xaa: {  	[dreg:$0x4] =	wrdreg $0xC0  }
0xab: {  	_ =	task [dreg:s6], $0x5FFFF  }
0xac: {  	[dreg:$0x1] =	wrdreg $0xFFFFFFFF  }
0xad: {  	[dreg:$0x0] =	wrdreg $0x60  }
0xae: {  	[dreg:$0x2] =	wrdreg s24  }
0xaf: {  	[dreg:$0x3] =	wrdreg $0x160800  }
0xb0: {  	[dreg:$0x4] =	wrdreg $0x9  }
0xb1: {  	_ =	task.clear_ibuf [dreg:s6], $0x5FFFF;
	_ =	strace $0x90000049  }
0xb2: {  	s29 =	simm.s32 $0x9;
	_ =	strace $0x8000004B  }
0xb3: {  	_ =	swait.ge [sflag:s29], $0x1  }
0xb4: {  	[sflag:s29] =	ssyncadd.s32 $0xFFFFFFFF  }
0xb5: {  	_ =	strace $0x9000004B  }
0xb6: {  	_ =	sfence  }
0xb7: {  	s30 =	sld [smem:$0x0];
	_ =	sdelay $0x2  }
0xb8: {  	s31 =	sshll.u32 s1, $0xD;
	s1 =	sshrl.u32 s1, $0x2  }
0xb9: {  	s3 =	sand.u32 $0x4000, s31;
	s1 =	sadd.s32 s1, s30  }
0xba: {  	s0 =	sor.u32 s3, s0;
	s1 =	sshll.u32 s1, $0x11  }
0xbb: {  	s0 =	sor.u32 s1, s0  }
0xbc: {  	s0 =	sadd.s32 $0x8F2B, s0  }
0xbd: {  	[sflag:s0] =	ssyncadd.remote.s32 $0x1  }
0xbe: {  	_ =	sfence.sel $0xFFFF  }
0xbf: {  	[dreg:$0x0] =	wrdreg $0xFFFFFFFF;
	(pc) =	sbr.abs _section_cstart, $3  }
0xc0: {  	[dreg:$0x1] =	wrdreg $0xFFFFFFFF  }
0xc1: {  	_ =	task.clear_ibuf [dreg:s6], $0x2FFFF;
	_ =	strace $0x9FFFFFFF  }
0xc2: {  	(tm) =	ssettm $0x7FFFFFFF  }
0xc3: {  	_ =	shalt  }
tec
execute0_lowered:
.L_overlay_start_1:
0x0: {  	(tag) =	ssettag $0x1  }
0x1: {  	s7 =	rddreg [dreg:$0x0]  }
0x2: {  	s2 =	rddreg [dreg:$0x1]  }
0x3: {  	s0 =	rddreg [dreg:$0x2]  }
0x4: {  	s3 =	simm.s32 $0x0;
	s1 =	stileid.u32;
	s4 =	srdreg.scid  }
0x5: {  	s16 =	simm.s32 $0x9C40;
	s17 =	simm.s32 $0x1;
	s18 =	simm.s32 $0x2  }
0x6: {  	s19 =	simm.s32 $0x3;
	s20 =	simm.s32 $0x50;
	s21 =	simm.s32 $0x13880  }
0x7: {  	s22 =	simm.s32 $0x14C80;
	s23 =	simm.s32 $0x4;
	s24 =	simm.s32 $0x137E0  }
0x8: {  	s25 =	simm.s32 $0x13830;
	s26 =	simm.s32 $0x0;
	s6 =	smul.u32 $0x1388, s1  }
0x9: {  	[smem:$0x7FF] =	sst s3;
	s8 =	smul.u32 $0x9C40, s1;
	s13 =	sand.u32 $0x1, s4  }
0xa: {  	s4 =	sadd.s32 $0x2A800, s7;
	s5 =	sadd.s32 $0x3E200, s7;
	_ =	strace $0x8000004A  }
0xb: {  	s9 =	ssub.s32 $0x2, s13;
	p0 =	seq.s32 s13, $0x1;
	s12 =	sadd.s32 s6, s7  }
.Ltmp0:
0xc: {  	s6 =	sshrl.u32 s8, $0x3;
	s10 =	sshrl.u32 s9, $0x1;
	(pc) =	sbr.rel .LBB2_1-.Ltmp0, $4  }
0xd: {  	s15 =	sadd.s32 s8, s2;
	s11 =	sadd.s32 s6, s7;
	s7 =	sadd.s32 $0x65600, s7  }
0xe: {  	s14 =	ssub.s32 s9, s10;
	s9 =	sshll.u32 s1, $0x6;
	s13 =	sadd.s32 $0x13880, s6  }
0xf: {  	s15 =	sshrl.u32 s15, $0x3;
	s8 =	sadd.s32 $0x51C00, s11;
	s10 =	sor.u32 $0x1C03, s9  }
0x10: {  	s11 =	sadd.s32 $0x3400, s12;
	s12 =	sadd.s32 $0x16E00, s12;
	s14 =	smax.u32 s14, $0x1  }
.LBB2_7:
0x11: {  	[tilespmem:s22], [sflag:$0x2] =	stream.indirect.gather [hbm4b:s5+s20], $0x40, s29, s20, $0xb8;
	[tilespmem:$0x1FCC0] =	vst v63  }
0x12: {  	_ =	swait.ge [sflag:s17], $0x1400  }
0x13: {  	[sflag:s17] =	ssyncset.done $0x0  }
0x14: {  	[sflag:s17] =	ssyncadd.s32 $0xFFFFEC00  }
0x15: {  	[spmem:s2] =	stream.indirect.scatter.add.f32 [tilespmem:s21], [sflag:$0x4], $0x40, s24, s20, $0xb8;
	[tilespmem:$0x1FCC0] =	vst v63  }
0x16: {  	_ =	swait.ge [sflag:s23], $0x1400  }
0x17: {  	[sflag:s23] =	ssyncset.done $0x0  }
0x18: {  	[sflag:s23] =	ssyncadd.s32 $0xFFFFEC00  }
0x19: {  	_ =	swait.ge [sflag:s18], $0x1400  }
0x1a: {  	[sflag:s18] =	ssyncset.done $0x0  }
0x1b: {  	s28 =	smov.u32 s13;
	[sflag:s18] =	ssyncadd.s32 $0xFFFFEC00  }
0x1c: {  	[spmem:s2] =	stream.indirect.scatter.add.f32 [tilespmem:s22], [sflag:$0x4], $0x40, s25, s20, $0xb8;
	[tilespmem:$0x1FCC0] =	vst v63  }
.LBB2_8:
0x1d: {  	_ =	swait.ge [sflag:s23], $0x1400  }
0x1e: {  	s26 =	sadd.s32 $0x1, s26;
	[sflag:s23] =	ssyncset.done $0x0  }
0x1f: {  	s28 =	sadd.s32 s7, s28;
	p1 =	sne.s32 s26, s14;
	[sflag:s23] =	ssyncadd.s32 $0xFFFFEC00  }
.Ltmp1:
0x20: {  	s29 =	sor.u32 $0x1C04, s9;
	[bflag:$0x0] =	sbarrier.arrive $0xFFFF;
	(pc) =	sbr.rel @!p1 .LBB2_9-.Ltmp1, $4  }
0x21: {  	[hbm:s28], [sflag:s29] =	dma.local [spmem:s15], $0x1388  }
0x22: {  	_ =	swait.ge [sflag:s23], $0x1388  }
0x23: {  	[sflag:s23] =	ssyncset.done $0x0  }
0x24: {  	[sflag:s23] =	ssyncadd.s32 $0xFFFFEC78  }
.LBB2_1:
0x25: {  	[spmem:s15], [sflag:s10] =	dma.local [hbm:s8], $0x1388  }
0x26: {  	[tilespmem:s3], [sflag:$0x1] =	stream.linear.gather [hbm4b:s11+s3], $0x9C40, $0x38;
	[tilespmem:$0x1FCC0] =	vst v63  }
0x27: {  	_ = 	snop  }
0x28: {  	[tilespmem:s16], [sflag:$0x2] =	stream.linear.gather [hbm4b:s12+s3], $0x9C40, $0x38;
	[tilespmem:$0x1FCC0] =	vst v63  }
0x29: {  	_ =	swait.ge [sflag:s17], $0x9C40  }
0x2a: {  	[sflag:s17] =	ssyncset.done $0x0  }
0x2b: {  	[sflag:s17] =	ssyncadd.s32 $0xFFFF63C0  }
0x2c: {  	_ =	swait.ge [sflag:s18], $0x9C40  }
.Ltmp2:
0x2d: {  	[sflag:s18] =	ssyncset.done $0x0;
	(pc) =	sbr.rel @!p0 .LBB2_2-.Ltmp2, $4  }
0x2e: {  	[sflag:s18] =	ssyncadd.s32 $0xFFFF63C0  }
0x2f: {  	_ =	swait.ge [sflag:s19], $0x1388  }
0x30: {  	[sflag:s19] =	ssyncset.done $0x0  }
0x31: {  	s28 =	simm.s32 $0x0;
	[sflag:s19] =	ssyncadd.s32 $0xFFFFEC78  }
0x32: {  	[tilespmem:s21], [sflag:$0x1] =	stream.indirect.gather [hbm4b:s5+s20], $0x40, s28, s20, $0xb8;
	[tilespmem:$0x1FCC0] =	vst v63  }
0x33: {  	_ = 	snop  }
0x34: {  	[tilespmem:s22], [sflag:$0x2] =	stream.indirect.gather [hbm4b:s5+s20], $0x40, s20, s20, $0xb8;
	[tilespmem:$0x1FCC0] =	vst v63  }
0x35: {  	[bflag:$0x0] =	sbarrier.arrive $0xFFFF  }
0x36: {  	_ =	swait.ge [sflag:s17], $0x1400  }
0x37: {  	[sflag:s17] =	ssyncset.done $0x0  }
0x38: {  	s28 =	simm.s32 $0x9C40;
	[sflag:s17] =	ssyncadd.s32 $0xFFFFEC00  }
0x39: {  	[spmem:s2] =	stream.indirect.scatter.add.f32 [tilespmem:s21], [sflag:$0x4], $0x40, s28, s20, $0xb8;
	[tilespmem:$0x1FCC0] =	vst v63  }
0x3a: {  	_ =	swait.ge [sflag:s23], $0x1400  }
0x3b: {  	[sflag:s23] =	ssyncset.done $0x0  }
0x3c: {  	s28 =	simm.s32 $0xA0;
	[sflag:s23] =	ssyncadd.s32 $0xFFFFEC00  }
0x3d: {  	[tilespmem:s21], [sflag:$0x1] =	stream.indirect.gather [hbm4b:s5+s20], $0x40, s28, s20, $0xb8;
	[tilespmem:$0x1FCC0] =	vst v63  }
0x3e: {  	_ =	swait.ge [sflag:s18], $0x1400  }
0x3f: {  	[sflag:s18] =	ssyncset.done $0x0  }
0x40: {  	s28 =	simm.s32 $0x9C90;
	[sflag:s18] =	ssyncadd.s32 $0xFFFFEC00  }
0x41: {  	[spmem:s2] =	stream.indirect.scatter.add.f32 [tilespmem:s22], [sflag:$0x4], $0x40, s28, s20, $0xb8;
	[tilespmem:$0x1FCC0] =	vst v63  }
0x42: {  	_ =	swait.ge [sflag:s23], $0x1400  }
0x43: {  	[sflag:s23] =	ssyncset.done $0x0  }
0x44: {  	s29 =	simm.s32 $0xF0;
	s28 =	simm.s32 $0x280;
	[sflag:s23] =	ssyncadd.s32 $0xFFFFEC00  }
.LBB2_6:
0x45: {  	[tilespmem:s22], [sflag:$0x2] =	stream.indirect.gather [hbm4b:s5+s20], $0x40, s29, s20, $0xb8;
	[tilespmem:$0x1FCC0] =	vst v63  }
0x46: {  	s29 =	smov.u32 s28  }
0x47: {  	p1 =	sne.s32 s28, $0x26C00;
	s28 =	sadd.s32 $0x280, s28;
	_ =	swait.ge [sflag:s17], $0x1400  }
0x48: {  	s29 =	sshra.s32 s29, $0x2;
	[sflag:s17] =	ssyncset.done $0x0  }
0x49: {  	s30 =	sadd.s32 $0x9C40, s29;
	[sflag:s17] =	ssyncadd.s32 $0xFFFFEC00  }
0x4a: {  	[spmem:s2] =	stream.indirect.scatter.add.f32 [tilespmem:s21], [sflag:$0x4], $0x40, s30, s20, $0xb8;
	[tilespmem:$0x1FCC0] =	vst v63  }
0x4b: {  	_ =	swait.ge [sflag:s23], $0x1400  }
0x4c: {  	[sflag:s23] =	ssyncset.done $0x0  }
0x4d: {  	s30 =	sadd.s32 $0xA0, s29;
	[sflag:s23] =	ssyncadd.s32 $0xFFFFEC00  }
0x4e: {  	[tilespmem:s21], [sflag:$0x1] =	stream.indirect.gather [hbm4b:s5+s20], $0x40, s30, s20, $0xb8;
	[tilespmem:$0x1FCC0] =	vst v63  }
0x4f: {  	_ =	swait.ge [sflag:s18], $0x1400  }
0x50: {  	[sflag:s18] =	ssyncset.done $0x0  }
.Ltmp3:
0x51: {  	s30 =	sadd.s32 $0x9C90, s29;
	[sflag:s18] =	ssyncadd.s32 $0xFFFFEC00;
	(pc) =	sbr.rel @p1 .LBB2_6-.Ltmp3, $4  }
0x52: {  	[spmem:s2] =	stream.indirect.scatter.add.f32 [tilespmem:s22], [sflag:$0x4], $0x40, s30, s20, $0xb8;
	[tilespmem:$0x1FCC0] =	vst v63  }
0x53: {  	_ =	swait.ge [sflag:s23], $0x1400  }
0x54: {  	[sflag:s23] =	ssyncset.done $0x0  }
0x55: {  	s29 =	sadd.s32 $0xF0, s29;
	[sflag:s23] =	ssyncadd.s32 $0xFFFFEC00  }
.Ltmp4:
0x56: {  	_ = 	snop;
	(pc) =	sbr.rel .LBB2_7-.Ltmp4, $1  }
0x57: {  	_ =	sdelay $0x3  }
.LBB2_2:
0x58: {  	[tilespmem:s21], [sflag:$0x1] =	stream.indirect.gather [hbm4b:s4+s20], $0x40, s28, s20, $0xb8;
	[tilespmem:$0x1FCC0] =	vst v63  }
0x59: {  	_ = 	snop  }
0x5a: {  	[tilespmem:s22], [sflag:$0x2] =	stream.indirect.gather [hbm4b:s4+s20], $0x40, s20, s20, $0xb8;
	[tilespmem:$0x1FCC0] =	vst v63  }
0x5b: {  	[bflag:$0x0] =	sbarrier.arrive $0xFFFF  }
0x5c: {  	_ =	swait.ge [sflag:s17], $0x1400  }
0x5d: {  	[sflag:s17] =	ssyncset.done $0x0  }
0x5e: {  	s28 =	simm.s32 $0x9C40;
	[sflag:s17] =	ssyncadd.s32 $0xFFFFEC00  }
0x5f: {  	[spmem:s2] =	stream.indirect.scatter.add.f32 [tilespmem:s21], [sflag:$0x4], $0x40, s28, s20, $0xb8;
	[tilespmem:$0x1FCC0] =	vst v63  }
0x60: {  	_ =	swait.ge [sflag:s23], $0x1400  }
0x61: {  	[sflag:s23] =	ssyncset.done $0x0  }
0x62: {  	s28 =	simm.s32 $0xA0;
	[sflag:s23] =	ssyncadd.s32 $0xFFFFEC00  }
0x63: {  	[tilespmem:s21], [sflag:$0x1] =	stream.indirect.gather [hbm4b:s4+s20], $0x40, s28, s20, $0xb8;
	[tilespmem:$0x1FCC0] =	vst v63  }
0x64: {  	_ =	swait.ge [sflag:s18], $0x1400  }
0x65: {  	[sflag:s18] =	ssyncset.done $0x0  }
0x66: {  	s28 =	simm.s32 $0x9C90;
	[sflag:s18] =	ssyncadd.s32 $0xFFFFEC00  }
0x67: {  	[spmem:s2] =	stream.indirect.scatter.add.f32 [tilespmem:s22], [sflag:$0x4], $0x40, s28, s20, $0xb8;
	[tilespmem:$0x1FCC0] =	vst v63  }
0x68: {  	_ =	swait.ge [sflag:s23], $0x1400  }
0x69: {  	[sflag:s23] =	ssyncset.done $0x0  }
0x6a: {  	s29 =	simm.s32 $0xF0;
	s28 =	simm.s32 $0x280;
	[sflag:s23] =	ssyncadd.s32 $0xFFFFEC00  }
.LBB2_3:
0x6b: {  	[tilespmem:s22], [sflag:$0x2] =	stream.indirect.gather [hbm4b:s4+s20], $0x40, s29, s20, $0xb8;
	[tilespmem:$0x1FCC0] =	vst v63  }
0x6c: {  	s29 =	smov.u32 s28  }
0x6d: {  	p1 =	sne.s32 s28, $0x26C00;
	s28 =	sadd.s32 $0x280, s28;
	_ =	swait.ge [sflag:s17], $0x1400  }
0x6e: {  	s29 =	sshra.s32 s29, $0x2;
	[sflag:s17] =	ssyncset.done $0x0  }
0x6f: {  	s30 =	sadd.s32 $0x9C40, s29;
	[sflag:s17] =	ssyncadd.s32 $0xFFFFEC00  }
0x70: {  	[spmem:s2] =	stream.indirect.scatter.add.f32 [tilespmem:s21], [sflag:$0x4], $0x40, s30, s20, $0xb8;
	[tilespmem:$0x1FCC0] =	vst v63  }
0x71: {  	_ =	swait.ge [sflag:s23], $0x1400  }
0x72: {  	[sflag:s23] =	ssyncset.done $0x0  }
0x73: {  	s30 =	sadd.s32 $0xA0, s29;
	[sflag:s23] =	ssyncadd.s32 $0xFFFFEC00  }
0x74: {  	[tilespmem:s21], [sflag:$0x1] =	stream.indirect.gather [hbm4b:s4+s20], $0x40, s30, s20, $0xb8;
	[tilespmem:$0x1FCC0] =	vst v63  }
0x75: {  	_ =	swait.ge [sflag:s18], $0x1400  }
0x76: {  	[sflag:s18] =	ssyncset.done $0x0  }
.Ltmp5:
0x77: {  	s30 =	sadd.s32 $0x9C90, s29;
	[sflag:s18] =	ssyncadd.s32 $0xFFFFEC00;
	(pc) =	sbr.rel @p1 .LBB2_3-.Ltmp5, $4  }
0x78: {  	[spmem:s2] =	stream.indirect.scatter.add.f32 [tilespmem:s22], [sflag:$0x4], $0x40, s30, s20, $0xb8;
	[tilespmem:$0x1FCC0] =	vst v63  }
0x79: {  	_ =	swait.ge [sflag:s23], $0x1400  }
0x7a: {  	[sflag:s23] =	ssyncset.done $0x0  }
0x7b: {  	s29 =	sadd.s32 $0xF0, s29;
	[sflag:s23] =	ssyncadd.s32 $0xFFFFEC00  }
0x7c: {  	[tilespmem:s22], [sflag:$0x2] =	stream.indirect.gather [hbm4b:s4+s20], $0x40, s29, s20, $0xb8;
	[tilespmem:$0x1FCC0] =	vst v63  }
0x7d: {  	_ =	swait.ge [sflag:s17], $0x1400  }
0x7e: {  	[sflag:s17] =	ssyncset.done $0x0  }
0x7f: {  	[sflag:s17] =	ssyncadd.s32 $0xFFFFEC00  }
0x80: {  	[spmem:s2] =	stream.indirect.scatter.add.f32 [tilespmem:s21], [sflag:$0x4], $0x40, s24, s20, $0xb8;
	[tilespmem:$0x1FCC0] =	vst v63  }
0x81: {  	_ =	swait.ge [sflag:s23], $0x1400  }
0x82: {  	[sflag:s23] =	ssyncset.done $0x0  }
.Ltmp6:
0x83: {  	[sflag:s23] =	ssyncadd.s32 $0xFFFFEC00;
	(pc) =	sbr.rel .LBB2_8-.Ltmp6, $4  }
0x84: {  	_ =	swait.ge [sflag:s18], $0x1400  }
0x85: {  	[sflag:s18] =	ssyncset.done $0x0  }
0x86: {  	s28 =	smov.u32 s6;
	[sflag:s18] =	ssyncadd.s32 $0xFFFFEC00  }
0x87: {  	[spmem:s2] =	stream.indirect.scatter.add.f32 [tilespmem:s22], [sflag:$0x4], $0x40, s25, s20, $0xb8;
	[tilespmem:$0x1FCC0] =	vst v63  }
.LBB2_9:
0x88: {  	_ =	sfence.sel $0x180000  }
0x89: {  	[bflag:$0x0] =	sbarrier.arrive $0xFFFF  }
0x8a: {  	p0 =	sne.s32 s1, $0x0;
	_ =	strace $0x9000004A  }
0x8b: {  	s0 =	sadd.s32 @!p0 $0x100000, s0;
	[bflag:$0x2] =	sbarrier.arrive $0xFFFF  }
0x8c: {  	[sflag:s0] =	ssyncadd.tile.s32 @!p0 $0x1;
	_ =	shalt  }
.Lfunc_end2:
_tile_overlayer_lowered:
.L_overlay_start_2:
0x8d: {  	(tag) =	ssettag $0x2  }
0x8e: {  	s0 =	rddreg [dreg:$0x0];
	s2 =	stileid.u32  }
0x8f: {  	s1 =	rddreg [dreg:$0x1];
	p0 =	sne.s32 s2, $0x0  }
0x90: {  	s3 =	rddreg [dreg:$0x2];
	[bflag:$0x3] =	sbarrier.arrive $0xFFFF;
	s2 =	simm.s32 @!p0 $0x1C04  }
0x91: {  	[timem:s3], [sflag:s2] =	dma.local @!p0 [hbm:s0], s1  }
0x92: {  	s0 =	simm.s32 @!p0 $0x4  }
0x93: {  	_ =	swait.ge @!p0 [sflag:s0], s1  }
0x94: {  	s1 =	ssub.s32 @!p0 $0x0, s1;
	[sflag:s0] =	ssyncset.done @!p0 $0x0  }
0x95: {  	[sflag:s0] =	ssyncadd.s32 @!p0 s1  }
0x96: {  	[bflag:$0x3] =	sbarrier.arrive $0xFFFF  }
0x97: {  	_ =	shalt  }

// kernel: kernel.14.cloned.1.call-start
scs
__scs_entry_jumppad:
0x0: {  	(pc) =	sbr.rel $0x88, $3  }
0x1: {  	(tag) =	ssettag $0x0;
	lr =	simm.s32 $0x1  }
0x2: {  	[smem:$0x3F99] =	sst lr;
	_ =	strace $0xD0000000  }
0x3: {  	_ = 	snop  }
0x4: {  	_ = 	snop  }
0x5: {  	_ = 	snop  }
0x6: {  	_ = 	snop  }
0x7: {  	_ = 	snop  }
__scs_overlays_trampoline_lowered:
0x8: {  	[smem:$0x3FA8] =	sst s0  }
0x9: {  	[smem:$0x3FA9] =	sst s1  }
0xa: {  	[smem:$0x3FAA] =	sst s2  }
0xb: {  	[smem:$0x3FAB] =	sst s3  }
0xc: {  	[smem:$0x3FAC] =	sst s4  }
0xd: {  	[smem:$0x3FAD] =	sst s5  }
0xe: {  	[smem:$0x3FAE] =	sst s6  }
0xf: {  	[smem:$0x3FAF] =	sst s7  }
0x10: {  	[smem:$0x3FB0] =	sst s8  }
0x11: {  	[smem:$0x3FB1] =	sst s9;
	s0 =	simm.s32 @!p0 $0x0  }
0x12: {  	s1 =	sld [smem:$0x3F97];
	s0 =	simm.s32 @p0 $0x1  }
0x13: {  	[smem:$0x3FB2] =	sst s0;
	s0 =	simm.s32 @!p1 $0x0  }
0x14: {  	s2 =	sld [smem:$0x3F96];
	s0 =	simm.s32 @p1 $0x1  }
0x15: {  	[smem:$0x3FB3] =	sst s0;
	s0 =	simm.s32 @!p2 $0x0  }
0x16: {  	s3 =	sld [smem:$0x3FDB];
	s0 =	simm.s32 @p2 $0x1  }
0x17: {  	s4 =	simm.s32 $0x1BF5;
	[smem:$0x3FB5] =	sst s0  }
0x18: {  	s0 =	sld [smem:$0x3F98];
	_ =	swait.ge [sflag:s4], $0x0  }
0x19: {  	s7 =	sld [smem:$0x3F99]  }
0x1a: {  	s8 =	sadd.s32 $0xFFFFE003, lr  }
0x1b: {  	s9 =	sadd.s32 $0xFFFFFEF7, lr;
	s5 =	simm.s32 $0xFFFFFFFF;
	p2 =	slt.u32 s8, $0xFFFFF086  }
0x1c: {  	p1 =	slt.u32 s9, $0xF7A;
	s5 =	simm.s32 @!p2 $0x0  }
0x1d: {  	s5 =	simm.s32 @p1 $0x1;
	p0 =	seq.s32 s7, s2  }
0x1e: {  	s7 =	smul.u32 @!p0 $0xF7A, s2;
	p2 =	seq.s32 @!p0 s5, $0x0  }
0x1f: {  	s9 =	smul.u32 $0xF7A, s1;
	s8 =	simm.s32 @!p0 $0x1BF5;
	p2 =	por !p2, p0  }
0x20: {  	[sflag:s8] =	ssyncset.s32 @!p0 $0xFFFFF086;
	s6 =	sadd.s32 @!p0 s3, s7;
	s7 =	simm.s32 @!p0 $0x108  }
0x21: {  	s3 =	sadd.s32 s3, s9;
	s6 =	sadd.s32 @!p0 $0x88, s6;
	s7 =	simm.s32 @p2 $0x1082  }
0x22: {  	[simem:s7], [sflag:s8] =	dma.local @!p0 [hbm:s6], $0xF7A  }
0x23: {  	s9 =	sor.u32 $0xD0000000, s2;
	s6 =	simm.s32 $0x108;
	_ =	swait.ge @!p0 [sflag:s8], $0x0  }
0x24: {  	s3 =	sadd.s32 $0x88, s3;
	s6 =	simm.s32 @!p1 $0x1082;
	[sflag:s4] =	ssyncset.s32 $0xFFFFF086  }
0x25: {  	[simem:s6], [sflag:s4] =	dma.local [hbm:s3], $0xF7A  }
0x26: {  	[smem:$0x3F99] =	sst s1;
	(tag) =	ssettag s2;
	_ =	strace s9  }
0x27: {  	s1 =	sld [smem:$0x3FA9]  }
0x28: {  	s2 =	sld [smem:$0x3FAA]  }
0x29: {  	s4 =	sld [smem:$0x3FAC]  }
0x2a: {  	p0 =	seq.s32 s5, $0x0;
	s5 =	sld [smem:$0x3FAD]  }
0x2b: {  	s6 =	sld [smem:$0x3FAE]  }
0x2c: {  	s7 =	sld [smem:$0x3FAF]  }
0x2d: {  	s3 =	simm.s32 $0x108;
	s8 =	sld [smem:$0x3FB0]  }
0x2e: {  	s3 =	simm.s32 @!p0 $0x1082;
	s9 =	sld [smem:$0x3FB1]  }
0x2f: {  	lr =	sadd.s32 s0, s3;
	s0 =	sld [smem:$0x3FA8]  }
0x30: {  	s3 =	sld [smem:$0x3FAB]  }
0x31: {  	[smem:$0x3FB4] =	sst s10  }
0x32: {  	s10 =	sld [smem:$0x3FB2];
	_ =	sdelay $0x3  }
0x33: {  	p0 =	seq.s32 s10, $0x1;
	s10 =	sld [smem:$0x3FB4];
	_ =	sdelay $0x3  }
0x34: {  	[smem:$0x3FB4] =	sst s10  }
0x35: {  	s10 =	sld [smem:$0x3FB3];
	_ =	sdelay $0x3  }
0x36: {  	p1 =	seq.s32 s10, $0x1;
	s10 =	sld [smem:$0x3FB4];
	_ =	sdelay $0x3  }
0x37: {  	[smem:$0x3FB4] =	sst s10  }
0x38: {  	s10 =	sld [smem:$0x3FB5]  }
0x39: {  	_ = 	snop;
	(pc) =	sbr.ind lr, $3  }
0x3a: {  	_ = 	snop  }
0x3b: {  	_ = 	snop  }
0x3c: {  	p2 =	seq.s32 s10, $0x1;
	s10 =	sld [smem:$0x3FB4]  }
0x3d: {  	_ =	shalt  }
0x3e: {  	_ =	shalt  }
0x3f: {  	_ =	shalt  }
0x40: {  	_ =	shalt  }
0x41: {  	_ =	shalt  }
0x42: {  	_ =	shalt  }
0x43: {  	_ =	shalt  }
0x44: {  	_ =	shalt  }
0x45: {  	_ =	shalt  }
0x46: {  	_ =	shalt  }
0x47: {  	_ =	shalt  }
0x48: {  	_ =	shalt  }
0x49: {  	_ =	shalt  }
0x4a: {  	_ =	shalt  }
0x4b: {  	_ =	shalt  }
0x4c: {  	_ =	shalt  }
0x4d: {  	_ =	shalt  }
0x4e: {  	_ =	shalt  }
0x4f: {  	_ =	shalt  }
0x50: {  	_ =	shalt  }
0x51: {  	_ =	shalt  }
0x52: {  	_ =	shalt  }
0x53: {  	_ =	shalt  }
0x54: {  	_ =	shalt  }
0x55: {  	_ =	shalt  }
0x56: {  	_ =	shalt  }
0x57: {  	_ =	shalt  }
0x58: {  	_ =	shalt  }
0x59: {  	_ =	shalt  }
0x5a: {  	_ =	shalt  }
0x5b: {  	_ =	shalt  }
0x5c: {  	_ =	shalt  }
0x5d: {  	_ =	shalt  }
0x5e: {  	_ =	shalt  }
0x5f: {  	_ =	shalt  }
0x60: {  	_ =	shalt  }
0x61: {  	_ =	shalt  }
0x62: {  	_ =	shalt  }
0x63: {  	_ =	shalt  }
0x64: {  	_ =	shalt  }
0x65: {  	_ =	shalt  }
0x66: {  	_ =	shalt  }
0x67: {  	_ =	shalt  }
0x68: {  	_ =	shalt  }
0x69: {  	_ =	shalt  }
0x6a: {  	_ =	shalt  }
0x6b: {  	_ =	shalt  }
0x6c: {  	_ =	shalt  }
0x6d: {  	_ =	shalt  }
0x6e: {  	_ =	shalt  }
0x6f: {  	_ =	shalt  }
0x70: {  	_ =	shalt  }
0x71: {  	_ =	shalt  }
0x72: {  	_ =	shalt  }
0x73: {  	_ =	shalt  }
0x74: {  	_ =	shalt  }
0x75: {  	_ =	shalt  }
0x76: {  	_ =	shalt  }
0x77: {  	_ =	shalt  }
0x78: {  	_ =	shalt  }
0x79: {  	_ =	shalt  }
0x7a: {  	_ =	shalt  }
0x7b: {  	_ =	shalt  }
0x7c: {  	_ =	shalt  }
0x7d: {  	_ =	shalt  }
0x7e: {  	_ =	shalt  }
0x7f: {  	_ =	shalt  }
0x80: {  	_ =	shalt  }
0x81: {  	_ =	shalt  }
0x82: {  	_ =	shalt  }
0x83: {  	_ =	shalt  }
0x84: {  	_ =	shalt  }
0x85: {  	_ =	shalt  }
0x86: {  	_ =	shalt  }
0x87: {  	_ =	shalt  }
.Lfunc_end0:
.L_simem_size_0:
called_computation.2_lowered:
.L_overlay_start_0:
0x88: {  	s2 =	sld [smem:$0x3FD9]  }
0x89: {  	s3 =	sld [smem:$0x3FFE];
	_ =	sdelay $0x1  }
0x8a: {  	s1 =	srdreg.scid  }
0x8b: {  	s0 =	sand.u32 $0x1, s1  }
0x8c: {  	s16 =	sshll.u32 s0, $0xA;
	s2 =	sadd.s32 s3, s2  }
0x8d: {  	s2 =	sadd.s32 s2, s16  }
0x8e: {  	[smem:$0x3FC0] =	sst s2  }
0x8f: {  	_ = 	snop  }
0x90: {  	(tm) =	ssettm $0x1  }
0x91: {  	s17 =	sld [smem:$0x3FFB];
	_ =	sdelay $0x3  }
0x92: {  	_ =	strace s17  }
0x93: {  	s2 =	sld [smem:$0x3FFC];
	_ =	sdelay $0x3  }
0x94: {  	_ =	strace s2  }
0x95: {  	s2 =	sld [smem:$0x3FFD];
	_ =	sdelay $0x3  }
0x96: {  	_ =	strace s2  }
0x97: {  	_ =	strace $0x8FFFFFFF  }
0x98: {  	s18 =	sld [smem:$0x3FDB];
	_ =	sdelay $0x1  }
0x99: {  	s19 =	simm.s32 $_scs_section_size  }
0x9a: {  	s4 =	simm.s32 $_size__tile_overlayer_lowered;
	s5 =	simm.s32 $_tile_overlayer_lowered  }
0x9b: {  	s22 =	simm.s32 $0x1BFF;
	s21 =	sshll.u32 s5, $0x1;
	s2 =	sadd.s32 s19, s18  }
0x9c: {  	s6 =	simm.s32 $0x0;
	s20 =	sshll.u32 s4, $0x1;
	s4 =	sadd.s32 s21, s2  }
0x9d: {  	[timem:s6], [sflag:s22] =	dma.local [hbm:s4], s20  }
0x9e: {  	_ =	swait.ge [sflag:s22], s20  }
0x9f: {  	s3 =	ssub.s32 $0x0, s20;
	[sflag:s22] =	ssyncset.done $0x0  }
0xa0: {  	[sflag:s22] =	ssyncadd.s32 s3;
	_ =	sdelay $0x1  }
0xa1: {  	s23 =	simm.s32 $0x1B8B  }
0xa2: {  	_ =	swait.ge [sflag:s23], $0x1  }
0xa3: {  	[sflag:s23] =	ssyncset.done $0x0  }
0xa4: {  	s25 =	simm.s32 $0x1B8E;
	s24 =	sld [smem:$0x3FFE];
	[sflag:s23] =	ssyncadd.s32 $0xFFFFFFFF  }
0xa5: {  	s26 =	simm.s32 $execute0_lowered;
	[smem:$0x3FD2] =	sst s25  }
0xa6: {  	s4 =	sshll.u32 s26, $0x1;
	_ =	strace $0x8000004C;
	[dreg:$0x1] =	wrdreg $0xFFFFFFFF  }
0xa7: {  	s28 =	simm.s32 $_size_execute0_lowered;
	s2 =	sadd.s32 s2, s4;
	[dreg:$0x0] =	wrdreg $0x0  }
0xa8: {  	s4 =	sshll.u32 s28, $0x1;
	[dreg:$0x2] =	wrdreg s2  }
0xa9: {  	[dreg:$0x3] =	wrdreg s4  }
0xaa: {  	[dreg:$0x4] =	wrdreg $0xC0  }
0xab: {  	_ =	task [dreg:s6], $0x5FFFF  }
0xac: {  	[dreg:$0x1] =	wrdreg $0xFFFFFFFF  }
0xad: {  	[dreg:$0x0] =	wrdreg $0x60  }
0xae: {  	[dreg:$0x2] =	wrdreg s24  }
0xaf: {  	[dreg:$0x3] =	wrdreg $0x160800  }
0xb0: {  	[dreg:$0x4] =	wrdreg $0x9  }
0xb1: {  	_ =	task.clear_ibuf [dreg:s6], $0x5FFFF;
	_ =	strace $0x9000004C  }
0xb2: {  	s29 =	simm.s32 $0x9;
	_ =	strace $0x8000004E  }
0xb3: {  	_ =	swait.ge [sflag:s29], $0x1  }
0xb4: {  	[sflag:s29] =	ssyncadd.s32 $0xFFFFFFFF  }
0xb5: {  	_ =	strace $0x9000004E  }
0xb6: {  	_ =	sfence  }
0xb7: {  	s30 =	sld [smem:$0x0];
	_ =	sdelay $0x2  }
0xb8: {  	s31 =	sshll.u32 s1, $0xD;
	s1 =	sshrl.u32 s1, $0x2  }
0xb9: {  	s3 =	sand.u32 $0x4000, s31;
	s1 =	sadd.s32 s1, s30  }
0xba: {  	s0 =	sor.u32 s3, s0;
	s1 =	sshll.u32 s1, $0x11  }
0xbb: {  	s0 =	sor.u32 s1, s0  }
0xbc: {  	s0 =	sadd.s32 $0x8F2B, s0  }
0xbd: {  	[sflag:s0] =	ssyncadd.remote.s32 $0x1  }
0xbe: {  	_ =	sfence.sel $0xFFFF  }
0xbf: {  	[dreg:$0x0] =	wrdreg $0xFFFFFFFF;
	(pc) =	sbr.abs _section_cstart, $3  }
0xc0: {  	[dreg:$0x1] =	wrdreg $0xFFFFFFFF  }
0xc1: {  	_ =	task.clear_ibuf [dreg:s6], $0x2FFFF;
	_ =	strace $0x9FFFFFFF  }
0xc2: {  	(tm) =	ssettm $0x7FFFFFFF  }
0xc3: {  	_ =	shalt  }
tec
execute0_lowered:
.L_overlay_start_1:
0x0: {  	(tag) =	ssettag $0x1  }
0x1: {  	s7 =	rddreg [dreg:$0x0]  }
0x2: {  	s2 =	rddreg [dreg:$0x1]  }
0x3: {  	s0 =	rddreg [dreg:$0x2]  }
0x4: {  	s3 =	simm.s32 $0x0;
	s1 =	stileid.u32;
	s4 =	srdreg.scid  }
0x5: {  	s16 =	simm.s32 $0x9C40;
	s17 =	simm.s32 $0x1;
	s18 =	simm.s32 $0x2  }
0x6: {  	s19 =	simm.s32 $0x3;
	s20 =	simm.s32 $0x50;
	s21 =	simm.s32 $0x13880  }
0x7: {  	s22 =	simm.s32 $0x14C80;
	s23 =	simm.s32 $0x4;
	s24 =	simm.s32 $0x137E0  }
0x8: {  	s25 =	simm.s32 $0x13830;
	s26 =	simm.s32 $0x0;
	s6 =	smul.u32 $0x1388, s1  }
0x9: {  	[smem:$0x7FF] =	sst s3;
	s8 =	smul.u32 $0x9C40, s1;
	s13 =	sand.u32 $0x1, s4  }
0xa: {  	s4 =	sadd.s32 $0x65600, s7;
	s5 =	sadd.s32 $0x79000, s7;
	_ =	strace $0x8000004D  }
0xb: {  	s9 =	ssub.s32 $0x2, s13;
	p0 =	seq.s32 s13, $0x1;
	s12 =	sadd.s32 s6, s7  }
.Ltmp0:
0xc: {  	s6 =	sshrl.u32 s8, $0x3;
	s10 =	sshrl.u32 s9, $0x1;
	(pc) =	sbr.rel .LBB2_1-.Ltmp0, $4  }
0xd: {  	s15 =	sadd.s32 s8, s2;
	s11 =	sadd.s32 s6, s7;
	s7 =	sadd.s32 $0x8CA00, s7  }
0xe: {  	s14 =	ssub.s32 s9, s10;
	s9 =	sshll.u32 s1, $0x6;
	s13 =	sadd.s32 $0x13880, s6  }
0xf: {  	s15 =	sshrl.u32 s15, $0x3;
	s8 =	sadd.s32 $0x51C00, s11;
	s10 =	sor.u32 $0x1C03, s9  }
0x10: {  	s11 =	sadd.s32 $0x3400, s12;
	s12 =	sadd.s32 $0x16E00, s12;
	s14 =	smax.u32 s14, $0x1  }
.LBB2_7:
0x11: {  	[tilespmem:s22], [sflag:$0x2] =	stream.indirect.gather [hbm4b:s5+s20], $0x40, s29, s20, $0xb8;
	[tilespmem:$0x1FCC0] =	vst v63  }
0x12: {  	_ =	swait.ge [sflag:s17], $0x1400  }
0x13: {  	[sflag:s17] =	ssyncset.done $0x0  }
0x14: {  	[sflag:s17] =	ssyncadd.s32 $0xFFFFEC00  }
0x15: {  	[spmem:s2] =	stream.indirect.scatter.add.f32 [tilespmem:s21], [sflag:$0x4], $0x40, s24, s20, $0xb8;
	[tilespmem:$0x1FCC0] =	vst v63  }
0x16: {  	_ =	swait.ge [sflag:s23], $0x1400  }
0x17: {  	[sflag:s23] =	ssyncset.done $0x0  }
0x18: {  	[sflag:s23] =	ssyncadd.s32 $0xFFFFEC00  }
0x19: {  	_ =	swait.ge [sflag:s18], $0x1400  }
0x1a: {  	[sflag:s18] =	ssyncset.done $0x0  }
0x1b: {  	s28 =	smov.u32 s13;
	[sflag:s18] =	ssyncadd.s32 $0xFFFFEC00  }
0x1c: {  	[spmem:s2] =	stream.indirect.scatter.add.f32 [tilespmem:s22], [sflag:$0x4], $0x40, s25, s20, $0xb8;
	[tilespmem:$0x1FCC0] =	vst v63  }
.LBB2_8:
0x1d: {  	_ =	swait.ge [sflag:s23], $0x1400  }
0x1e: {  	s26 =	sadd.s32 $0x1, s26;
	[sflag:s23] =	ssyncset.done $0x0  }
0x1f: {  	s28 =	sadd.s32 s7, s28;
	p1 =	sne.s32 s26, s14;
	[sflag:s23] =	ssyncadd.s32 $0xFFFFEC00  }
.Ltmp1:
0x20: {  	s29 =	sor.u32 $0x1C04, s9;
	[bflag:$0x0] =	sbarrier.arrive $0xFFFF;
	(pc) =	sbr.rel @!p1 .LBB2_9-.Ltmp1, $4  }
0x21: {  	[hbm:s28], [sflag:s29] =	dma.local [spmem:s15], $0x1388  }
0x22: {  	_ =	swait.ge [sflag:s23], $0x1388  }
0x23: {  	[sflag:s23] =	ssyncset.done $0x0  }
0x24: {  	[sflag:s23] =	ssyncadd.s32 $0xFFFFEC78  }
.LBB2_1:
0x25: {  	[spmem:s15], [sflag:s10] =	dma.local [hbm:s8], $0x1388  }
0x26: {  	[tilespmem:s3], [sflag:$0x1] =	stream.linear.gather [hbm4b:s11+s3], $0x9C40, $0x38;
	[tilespmem:$0x1FCC0] =	vst v63  }
0x27: {  	_ = 	snop  }
0x28: {  	[tilespmem:s16], [sflag:$0x2] =	stream.linear.gather [hbm4b:s12+s3], $0x9C40, $0x38;
	[tilespmem:$0x1FCC0] =	vst v63  }
0x29: {  	_ =	swait.ge [sflag:s17], $0x9C40  }
0x2a: {  	[sflag:s17] =	ssyncset.done $0x0  }
0x2b: {  	[sflag:s17] =	ssyncadd.s32 $0xFFFF63C0  }
0x2c: {  	_ =	swait.ge [sflag:s18], $0x9C40  }
.Ltmp2:
0x2d: {  	[sflag:s18] =	ssyncset.done $0x0;
	(pc) =	sbr.rel @!p0 .LBB2_2-.Ltmp2, $4  }
0x2e: {  	[sflag:s18] =	ssyncadd.s32 $0xFFFF63C0  }
0x2f: {  	_ =	swait.ge [sflag:s19], $0x1388  }
0x30: {  	[sflag:s19] =	ssyncset.done $0x0  }
0x31: {  	s28 =	simm.s32 $0x0;
	[sflag:s19] =	ssyncadd.s32 $0xFFFFEC78  }
0x32: {  	[tilespmem:s21], [sflag:$0x1] =	stream.indirect.gather [hbm4b:s5+s20], $0x40, s28, s20, $0xb8;
	[tilespmem:$0x1FCC0] =	vst v63  }
0x33: {  	_ = 	snop  }
0x34: {  	[tilespmem:s22], [sflag:$0x2] =	stream.indirect.gather [hbm4b:s5+s20], $0x40, s20, s20, $0xb8;
	[tilespmem:$0x1FCC0] =	vst v63  }
0x35: {  	[bflag:$0x0] =	sbarrier.arrive $0xFFFF  }
0x36: {  	_ =	swait.ge [sflag:s17], $0x1400  }
0x37: {  	[sflag:s17] =	ssyncset.done $0x0  }
0x38: {  	s28 =	simm.s32 $0x9C40;
	[sflag:s17] =	ssyncadd.s32 $0xFFFFEC00  }
0x39: {  	[spmem:s2] =	stream.indirect.scatter.add.f32 [tilespmem:s21], [sflag:$0x4], $0x40, s28, s20, $0xb8;
	[tilespmem:$0x1FCC0] =	vst v63  }
0x3a: {  	_ =	swait.ge [sflag:s23], $0x1400  }
0x3b: {  	[sflag:s23] =	ssyncset.done $0x0  }
0x3c: {  	s28 =	simm.s32 $0xA0;
	[sflag:s23] =	ssyncadd.s32 $0xFFFFEC00  }
0x3d: {  	[tilespmem:s21], [sflag:$0x1] =	stream.indirect.gather [hbm4b:s5+s20], $0x40, s28, s20, $0xb8;
	[tilespmem:$0x1FCC0] =	vst v63  }
0x3e: {  	_ =	swait.ge [sflag:s18], $0x1400  }
0x3f: {  	[sflag:s18] =	ssyncset.done $0x0  }
0x40: {  	s28 =	simm.s32 $0x9C90;
	[sflag:s18] =	ssyncadd.s32 $0xFFFFEC00  }
0x41: {  	[spmem:s2] =	stream.indirect.scatter.add.f32 [tilespmem:s22], [sflag:$0x4], $0x40, s28, s20, $0xb8;
	[tilespmem:$0x1FCC0] =	vst v63  }
0x42: {  	_ =	swait.ge [sflag:s23], $0x1400  }
0x43: {  	[sflag:s23] =	ssyncset.done $0x0  }
0x44: {  	s29 =	simm.s32 $0xF0;
	s28 =	simm.s32 $0x280;
	[sflag:s23] =	ssyncadd.s32 $0xFFFFEC00  }
.LBB2_6:
0x45: {  	[tilespmem:s22], [sflag:$0x2] =	stream.indirect.gather [hbm4b:s5+s20], $0x40, s29, s20, $0xb8;
	[tilespmem:$0x1FCC0] =	vst v63  }
0x46: {  	s29 =	smov.u32 s28  }
0x47: {  	p1 =	sne.s32 s28, $0x26C00;
	s28 =	sadd.s32 $0x280, s28;
	_ =	swait.ge [sflag:s17], $0x1400  }
0x48: {  	s29 =	sshra.s32 s29, $0x2;
	[sflag:s17] =	ssyncset.done $0x0  }
0x49: {  	s30 =	sadd.s32 $0x9C40, s29;
	[sflag:s17] =	ssyncadd.s32 $0xFFFFEC00  }
0x4a: {  	[spmem:s2] =	stream.indirect.scatter.add.f32 [tilespmem:s21], [sflag:$0x4], $0x40, s30, s20, $0xb8;
	[tilespmem:$0x1FCC0] =	vst v63  }
0x4b: {  	_ =	swait.ge [sflag:s23], $0x1400  }
0x4c: {  	[sflag:s23] =	ssyncset.done $0x0  }
0x4d: {  	s30 =	sadd.s32 $0xA0, s29;
	[sflag:s23] =	ssyncadd.s32 $0xFFFFEC00  }
0x4e: {  	[tilespmem:s21], [sflag:$0x1] =	stream.indirect.gather [hbm4b:s5+s20], $0x40, s30, s20, $0xb8;
	[tilespmem:$0x1FCC0] =	vst v63  }
0x4f: {  	_ =	swait.ge [sflag:s18], $0x1400  }
0x50: {  	[sflag:s18] =	ssyncset.done $0x0  }
.Ltmp3:
0x51: {  	s30 =	sadd.s32 $0x9C90, s29;
	[sflag:s18] =	ssyncadd.s32 $0xFFFFEC00;
	(pc) =	sbr.rel @p1 .LBB2_6-.Ltmp3, $4  }
0x52: {  	[spmem:s2] =	stream.indirect.scatter.add.f32 [tilespmem:s22], [sflag:$0x4], $0x40, s30, s20, $0xb8;
	[tilespmem:$0x1FCC0] =	vst v63  }
0x53: {  	_ =	swait.ge [sflag:s23], $0x1400  }
0x54: {  	[sflag:s23] =	ssyncset.done $0x0  }
0x55: {  	s29 =	sadd.s32 $0xF0, s29;
	[sflag:s23] =	ssyncadd.s32 $0xFFFFEC00  }
.Ltmp4:
0x56: {  	_ = 	snop;
	(pc) =	sbr.rel .LBB2_7-.Ltmp4, $1  }
0x57: {  	_ =	sdelay $0x3  }
.LBB2_2:
0x58: {  	[tilespmem:s21], [sflag:$0x1] =	stream.indirect.gather [hbm4b:s4+s20], $0x40, s28, s20, $0xb8;
	[tilespmem:$0x1FCC0] =	vst v63  }
0x59: {  	_ = 	snop  }
0x5a: {  	[tilespmem:s22], [sflag:$0x2] =	stream.indirect.gather [hbm4b:s4+s20], $0x40, s20, s20, $0xb8;
	[tilespmem:$0x1FCC0] =	vst v63  }
0x5b: {  	[bflag:$0x0] =	sbarrier.arrive $0xFFFF  }
0x5c: {  	_ =	swait.ge [sflag:s17], $0x1400  }
0x5d: {  	[sflag:s17] =	ssyncset.done $0x0  }
0x5e: {  	s28 =	simm.s32 $0x9C40;
	[sflag:s17] =	ssyncadd.s32 $0xFFFFEC00  }
0x5f: {  	[spmem:s2] =	stream.indirect.scatter.add.f32 [tilespmem:s21], [sflag:$0x4], $0x40, s28, s20, $0xb8;
	[tilespmem:$0x1FCC0] =	vst v63  }
0x60: {  	_ =	swait.ge [sflag:s23], $0x1400  }
0x61: {  	[sflag:s23] =	ssyncset.done $0x0  }
0x62: {  	s28 =	simm.s32 $0xA0;
	[sflag:s23] =	ssyncadd.s32 $0xFFFFEC00  }
0x63: {  	[tilespmem:s21], [sflag:$0x1] =	stream.indirect.gather [hbm4b:s4+s20], $0x40, s28, s20, $0xb8;
	[tilespmem:$0x1FCC0] =	vst v63  }
0x64: {  	_ =	swait.ge [sflag:s18], $0x1400  }
0x65: {  	[sflag:s18] =	ssyncset.done $0x0  }
0x66: {  	s28 =	simm.s32 $0x9C90;
	[sflag:s18] =	ssyncadd.s32 $0xFFFFEC00  }
0x67: {  	[spmem:s2] =	stream.indirect.scatter.add.f32 [tilespmem:s22], [sflag:$0x4], $0x40, s28, s20, $0xb8;
	[tilespmem:$0x1FCC0] =	vst v63  }
0x68: {  	_ =	swait.ge [sflag:s23], $0x1400  }
0x69: {  	[sflag:s23] =	ssyncset.done $0x0  }
0x6a: {  	s29 =	simm.s32 $0xF0;
	s28 =	simm.s32 $0x280;
	[sflag:s23] =	ssyncadd.s32 $0xFFFFEC00  }
.LBB2_3:
0x6b: {  	[tilespmem:s22], [sflag:$0x2] =	stream.indirect.gather [hbm4b:s4+s20], $0x40, s29, s20, $0xb8;
	[tilespmem:$0x1FCC0] =	vst v63  }
0x6c: {  	s29 =	smov.u32 s28  }
0x6d: {  	p1 =	sne.s32 s28, $0x26C00;
	s28 =	sadd.s32 $0x280, s28;
	_ =	swait.ge [sflag:s17], $0x1400  }
0x6e: {  	s29 =	sshra.s32 s29, $0x2;
	[sflag:s17] =	ssyncset.done $0x0  }
0x6f: {  	s30 =	sadd.s32 $0x9C40, s29;
	[sflag:s17] =	ssyncadd.s32 $0xFFFFEC00  }
0x70: {  	[spmem:s2] =	stream.indirect.scatter.add.f32 [tilespmem:s21], [sflag:$0x4], $0x40, s30, s20, $0xb8;
	[tilespmem:$0x1FCC0] =	vst v63  }
0x71: {  	_ =	swait.ge [sflag:s23], $0x1400  }
0x72: {  	[sflag:s23] =	ssyncset.done $0x0  }
0x73: {  	s30 =	sadd.s32 $0xA0, s29;
	[sflag:s23] =	ssyncadd.s32 $0xFFFFEC00  }
0x74: {  	[tilespmem:s21], [sflag:$0x1] =	stream.indirect.gather [hbm4b:s4+s20], $0x40, s30, s20, $0xb8;
	[tilespmem:$0x1FCC0] =	vst v63  }
0x75: {  	_ =	swait.ge [sflag:s18], $0x1400  }
0x76: {  	[sflag:s18] =	ssyncset.done $0x0  }
.Ltmp5:
0x77: {  	s30 =	sadd.s32 $0x9C90, s29;
	[sflag:s18] =	ssyncadd.s32 $0xFFFFEC00;
	(pc) =	sbr.rel @p1 .LBB2_3-.Ltmp5, $4  }
0x78: {  	[spmem:s2] =	stream.indirect.scatter.add.f32 [tilespmem:s22], [sflag:$0x4], $0x40, s30, s20, $0xb8;
	[tilespmem:$0x1FCC0] =	vst v63  }
0x79: {  	_ =	swait.ge [sflag:s23], $0x1400  }
0x7a: {  	[sflag:s23] =	ssyncset.done $0x0  }
0x7b: {  	s29 =	sadd.s32 $0xF0, s29;
	[sflag:s23] =	ssyncadd.s32 $0xFFFFEC00  }
0x7c: {  	[tilespmem:s22], [sflag:$0x2] =	stream.indirect.gather [hbm4b:s4+s20], $0x40, s29, s20, $0xb8;
	[tilespmem:$0x1FCC0] =	vst v63  }
0x7d: {  	_ =	swait.ge [sflag:s17], $0x1400  }
0x7e: {  	[sflag:s17] =	ssyncset.done $0x0  }
0x7f: {  	[sflag:s17] =	ssyncadd.s32 $0xFFFFEC00  }
0x80: {  	[spmem:s2] =	stream.indirect.scatter.add.f32 [tilespmem:s21], [sflag:$0x4], $0x40, s24, s20, $0xb8;
	[tilespmem:$0x1FCC0] =	vst v63  }
0x81: {  	_ =	swait.ge [sflag:s23], $0x1400  }
0x82: {  	[sflag:s23] =	ssyncset.done $0x0  }
.Ltmp6:
0x83: {  	[sflag:s23] =	ssyncadd.s32 $0xFFFFEC00;
	(pc) =	sbr.rel .LBB2_8-.Ltmp6, $4  }
0x84: {  	_ =	swait.ge [sflag:s18], $0x1400  }
0x85: {  	[sflag:s18] =	ssyncset.done $0x0  }
0x86: {  	s28 =	smov.u32 s6;
	[sflag:s18] =	ssyncadd.s32 $0xFFFFEC00  }
0x87: {  	[spmem:s2] =	stream.indirect.scatter.add.f32 [tilespmem:s22], [sflag:$0x4], $0x40, s25, s20, $0xb8;
	[tilespmem:$0x1FCC0] =	vst v63  }
.LBB2_9:
0x88: {  	_ =	sfence.sel $0x180000  }
0x89: {  	[bflag:$0x0] =	sbarrier.arrive $0xFFFF  }
0x8a: {  	p0 =	sne.s32 s1, $0x0;
	_ =	strace $0x9000004D  }
0x8b: {  	s0 =	sadd.s32 @!p0 $0x100000, s0;
	[bflag:$0x2] =	sbarrier.arrive $0xFFFF  }
0x8c: {  	[sflag:s0] =	ssyncadd.tile.s32 @!p0 $0x1;
	_ =	shalt  }
.Lfunc_end2:
_tile_overlayer_lowered:
.L_overlay_start_2:
0x8d: {  	(tag) =	ssettag $0x2  }
0x8e: {  	s0 =	rddreg [dreg:$0x0];
	s2 =	stileid.u32  }
0x8f: {  	s1 =	rddreg [dreg:$0x1];
	p0 =	sne.s32 s2, $0x0  }
0x90: {  	s3 =	rddreg [dreg:$0x2];
	[bflag:$0x3] =	sbarrier.arrive $0xFFFF;
	s2 =	simm.s32 @!p0 $0x1C04  }
0x91: {  	[timem:s3], [sflag:s2] =	dma.local @!p0 [hbm:s0], s1  }
0x92: {  	s0 =	simm.s32 @!p0 $0x4  }
0x93: {  	_ =	swait.ge @!p0 [sflag:s0], s1  }
0x94: {  	s1 =	ssub.s32 @!p0 $0x0, s1;
	[sflag:s0] =	ssyncset.done @!p0 $0x0  }
0x95: {  	[sflag:s0] =	ssyncadd.s32 @!p0 s1  }
0x96: {  	[bflag:$0x3] =	sbarrier.arrive $0xFFFF  }
0x97: {  	_ =	shalt  }

// kernel: kernel.8.cloned.1.call-start
scs
__scs_entry_jumppad:
0x0: {  	(pc) =	sbr.rel $0x88, $3  }
0x1: {  	(tag) =	ssettag $0x0;
	lr =	simm.s32 $0x1  }
0x2: {  	[smem:$0x3F99] =	sst lr;
	_ =	strace $0xD0000000  }
0x3: {  	_ = 	snop  }
0x4: {  	_ = 	snop  }
0x5: {  	_ = 	snop  }
0x6: {  	_ = 	snop  }
0x7: {  	_ = 	snop  }
__scs_overlays_trampoline_lowered:
0x8: {  	[smem:$0x3FA8] =	sst s0  }
0x9: {  	[smem:$0x3FA9] =	sst s1  }
0xa: {  	[smem:$0x3FAA] =	sst s2  }
0xb: {  	[smem:$0x3FAB] =	sst s3  }
0xc: {  	[smem:$0x3FAC] =	sst s4  }
0xd: {  	[smem:$0x3FAD] =	sst s5  }
0xe: {  	[smem:$0x3FAE] =	sst s6  }
0xf: {  	[smem:$0x3FAF] =	sst s7  }
0x10: {  	[smem:$0x3FB0] =	sst s8  }
0x11: {  	[smem:$0x3FB1] =	sst s9;
	s0 =	simm.s32 @!p0 $0x0  }
0x12: {  	s1 =	sld [smem:$0x3F97];
	s0 =	simm.s32 @p0 $0x1  }
0x13: {  	[smem:$0x3FB2] =	sst s0;
	s0 =	simm.s32 @!p1 $0x0  }
0x14: {  	s2 =	sld [smem:$0x3F96];
	s0 =	simm.s32 @p1 $0x1  }
0x15: {  	[smem:$0x3FB3] =	sst s0;
	s0 =	simm.s32 @!p2 $0x0  }
0x16: {  	s3 =	sld [smem:$0x3FDB];
	s0 =	simm.s32 @p2 $0x1  }
0x17: {  	s4 =	simm.s32 $0x1BF5;
	[smem:$0x3FB5] =	sst s0  }
0x18: {  	s0 =	sld [smem:$0x3F98];
	_ =	swait.ge [sflag:s4], $0x0  }
0x19: {  	s7 =	sld [smem:$0x3F99]  }
0x1a: {  	s8 =	sadd.s32 $0xFFFFE003, lr  }
0x1b: {  	s9 =	sadd.s32 $0xFFFFFEF7, lr;
	s5 =	simm.s32 $0xFFFFFFFF;
	p2 =	slt.u32 s8, $0xFFFFF086  }
0x1c: {  	p1 =	slt.u32 s9, $0xF7A;
	s5 =	simm.s32 @!p2 $0x0  }
0x1d: {  	s5 =	simm.s32 @p1 $0x1;
	p0 =	seq.s32 s7, s2  }
0x1e: {  	s7 =	smul.u32 @!p0 $0xF7A, s2;
	p2 =	seq.s32 @!p0 s5, $0x0  }
0x1f: {  	s9 =	smul.u32 $0xF7A, s1;
	s8 =	simm.s32 @!p0 $0x1BF5;
	p2 =	por !p2, p0  }
0x20: {  	[sflag:s8] =	ssyncset.s32 @!p0 $0xFFFFF086;
	s6 =	sadd.s32 @!p0 s3, s7;
	s7 =	simm.s32 @!p0 $0x108  }
0x21: {  	s3 =	sadd.s32 s3, s9;
	s6 =	sadd.s32 @!p0 $0x88, s6;
	s7 =	simm.s32 @p2 $0x1082  }
0x22: {  	[simem:s7], [sflag:s8] =	dma.local @!p0 [hbm:s6], $0xF7A  }
0x23: {  	s9 =	sor.u32 $0xD0000000, s2;
	s6 =	simm.s32 $0x108;
	_ =	swait.ge @!p0 [sflag:s8], $0x0  }
0x24: {  	s3 =	sadd.s32 $0x88, s3;
	s6 =	simm.s32 @!p1 $0x1082;
	[sflag:s4] =	ssyncset.s32 $0xFFFFF086  }
0x25: {  	[simem:s6], [sflag:s4] =	dma.local [hbm:s3], $0xF7A  }
0x26: {  	[smem:$0x3F99] =	sst s1;
	(tag) =	ssettag s2;
	_ =	strace s9  }
0x27: {  	s1 =	sld [smem:$0x3FA9]  }
0x28: {  	s2 =	sld [smem:$0x3FAA]  }
0x29: {  	s4 =	sld [smem:$0x3FAC]  }
0x2a: {  	p0 =	seq.s32 s5, $0x0;
	s5 =	sld [smem:$0x3FAD]  }
0x2b: {  	s6 =	sld [smem:$0x3FAE]  }
0x2c: {  	s7 =	sld [smem:$0x3FAF]  }
0x2d: {  	s3 =	simm.s32 $0x108;
	s8 =	sld [smem:$0x3FB0]  }
0x2e: {  	s3 =	simm.s32 @!p0 $0x1082;
	s9 =	sld [smem:$0x3FB1]  }
0x2f: {  	lr =	sadd.s32 s0, s3;
	s0 =	sld [smem:$0x3FA8]  }
0x30: {  	s3 =	sld [smem:$0x3FAB]  }
0x31: {  	[smem:$0x3FB4] =	sst s10  }
0x32: {  	s10 =	sld [smem:$0x3FB2];
	_ =	sdelay $0x3  }
0x33: {  	p0 =	seq.s32 s10, $0x1;
	s10 =	sld [smem:$0x3FB4];
	_ =	sdelay $0x3  }
0x34: {  	[smem:$0x3FB4] =	sst s10  }
0x35: {  	s10 =	sld [smem:$0x3FB3];
	_ =	sdelay $0x3  }
0x36: {  	p1 =	seq.s32 s10, $0x1;
	s10 =	sld [smem:$0x3FB4];
	_ =	sdelay $0x3  }
0x37: {  	[smem:$0x3FB4] =	sst s10  }
0x38: {  	s10 =	sld [smem:$0x3FB5]  }
0x39: {  	_ = 	snop;
	(pc) =	sbr.ind lr, $3  }
0x3a: {  	_ = 	snop  }
0x3b: {  	_ = 	snop  }
0x3c: {  	p2 =	seq.s32 s10, $0x1;
	s10 =	sld [smem:$0x3FB4]  }
0x3d: {  	_ =	shalt  }
0x3e: {  	_ =	shalt  }
0x3f: {  	_ =	shalt  }
0x40: {  	_ =	shalt  }
0x41: {  	_ =	shalt  }
0x42: {  	_ =	shalt  }
0x43: {  	_ =	shalt  }
0x44: {  	_ =	shalt  }
0x45: {  	_ =	shalt  }
0x46: {  	_ =	shalt  }
0x47: {  	_ =	shalt  }
0x48: {  	_ =	shalt  }
0x49: {  	_ =	shalt  }
0x4a: {  	_ =	shalt  }
0x4b: {  	_ =	shalt  }
0x4c: {  	_ =	shalt  }
0x4d: {  	_ =	shalt  }
0x4e: {  	_ =	shalt  }
0x4f: {  	_ =	shalt  }
0x50: {  	_ =	shalt  }
0x51: {  	_ =	shalt  }
0x52: {  	_ =	shalt  }
0x53: {  	_ =	shalt  }
0x54: {  	_ =	shalt  }
0x55: {  	_ =	shalt  }
0x56: {  	_ =	shalt  }
0x57: {  	_ =	shalt  }
0x58: {  	_ =	shalt  }
0x59: {  	_ =	shalt  }
0x5a: {  	_ =	shalt  }
0x5b: {  	_ =	shalt  }
0x5c: {  	_ =	shalt  }
0x5d: {  	_ =	shalt  }
0x5e: {  	_ =	shalt  }
0x5f: {  	_ =	shalt  }
0x60: {  	_ =	shalt  }
0x61: {  	_ =	shalt  }
0x62: {  	_ =	shalt  }
0x63: {  	_ =	shalt  }
0x64: {  	_ =	shalt  }
0x65: {  	_ =	shalt  }
0x66: {  	_ =	shalt  }
0x67: {  	_ =	shalt  }
0x68: {  	_ =	shalt  }
0x69: {  	_ =	shalt  }
0x6a: {  	_ =	shalt  }
0x6b: {  	_ =	shalt  }
0x6c: {  	_ =	shalt  }
0x6d: {  	_ =	shalt  }
0x6e: {  	_ =	shalt  }
0x6f: {  	_ =	shalt  }
0x70: {  	_ =	shalt  }
0x71: {  	_ =	shalt  }
0x72: {  	_ =	shalt  }
0x73: {  	_ =	shalt  }
0x74: {  	_ =	shalt  }
0x75: {  	_ =	shalt  }
0x76: {  	_ =	shalt  }
0x77: {  	_ =	shalt  }
0x78: {  	_ =	shalt  }
0x79: {  	_ =	shalt  }
0x7a: {  	_ =	shalt  }
0x7b: {  	_ =	shalt  }
0x7c: {  	_ =	shalt  }
0x7d: {  	_ =	shalt  }
0x7e: {  	_ =	shalt  }
0x7f: {  	_ =	shalt  }
0x80: {  	_ =	shalt  }
0x81: {  	_ =	shalt  }
0x82: {  	_ =	shalt  }
0x83: {  	_ =	shalt  }
0x84: {  	_ =	shalt  }
0x85: {  	_ =	shalt  }
0x86: {  	_ =	shalt  }
0x87: {  	_ =	shalt  }
.Lfunc_end0:
.L_simem_size_0:
called_computation_lowered:
.L_overlay_start_0:
0x88: {  	s2 =	sld [smem:$0x3FD9]  }
0x89: {  	s3 =	sld [smem:$0x3FFE];
	_ =	sdelay $0x1  }
0x8a: {  	s1 =	srdreg.scid  }
0x8b: {  	s0 =	sand.u32 $0x1, s1  }
0x8c: {  	s17 =	sshll.u32 s0, $0xA;
	s2 =	sadd.s32 s3, s2  }
0x8d: {  	s2 =	sadd.s32 s2, s17  }
0x8e: {  	[smem:$0x3FC0] =	sst s2  }
0x8f: {  	_ = 	snop  }
0x90: {  	s2 =	sld [smem:$0x3FD0];
	(tm) =	ssettm $0x1  }
0x91: {  	s18 =	sld [smem:$0x3FFB];
	_ =	sdelay $0x3  }
0x92: {  	_ =	strace s18  }
0x93: {  	s3 =	sld [smem:$0x3FFC];
	_ =	sdelay $0x3  }
0x94: {  	_ =	strace s3  }
0x95: {  	s3 =	sld [smem:$0x3FFD];
	_ =	sdelay $0x3  }
0x96: {  	_ =	strace s3  }
0x97: {  	_ =	strace $0x8FFFFFFF  }
0x98: {  	s19 =	sld [smem:$0x3FDB];
	_ =	sdelay $0x1  }
0x99: {  	s4 =	simm.s32 $_scs_section_size  }
0x9a: {  	s5 =	simm.s32 $_size__tile_overlayer_lowered;
	s6 =	simm.s32 $_tile_overlayer_lowered  }
0x9b: {  	s22 =	simm.s32 $0x1BFF;
	s21 =	sshll.u32 s6, $0x1;
	s3 =	sadd.s32 s4, s19  }
0x9c: {  	s7 =	simm.s32 $0x0;
	s20 =	sshll.u32 s5, $0x1;
	s5 =	sadd.s32 s21, s3  }
0x9d: {  	[timem:s7], [sflag:s22] =	dma.local [hbm:s5], s20  }
0x9e: {  	_ =	swait.ge [sflag:s22], s20  }
0x9f: {  	s4 =	ssub.s32 $0x0, s20;
	[sflag:s22] =	ssyncset.done $0x0  }
0xa0: {  	[sflag:s22] =	ssyncadd.s32 s4;
	_ =	sdelay $0x1  }
0xa1: {  	s23 =	simm.s32 $0x1B8B  }
0xa2: {  	_ =	swait.ge [sflag:s23], $0x1  }
0xa3: {  	[sflag:s23] =	ssyncset.done $0x0  }
0xa4: {  	s25 =	simm.s32 $0x1B8E;
	s24 =	sld [smem:$0x3FFE];
	[sflag:s23] =	ssyncadd.s32 $0xFFFFFFFF  }
0xa5: {  	s26 =	simm.s32 $execute0_lowered;
	[smem:$0x3FD2] =	sst s25  }
0xa6: {  	s5 =	sshll.u32 s26, $0x1;
	_ =	strace $0x80000046;
	[dreg:$0x1] =	wrdreg $0xFFFFFFFF  }
0xa7: {  	s28 =	simm.s32 $_size_execute0_lowered;
	s3 =	sadd.s32 s3, s5;
	[dreg:$0x0] =	wrdreg $0x0  }
0xa8: {  	s5 =	sshll.u32 s28, $0x1;
	[dreg:$0x2] =	wrdreg s3  }
0xa9: {  	[dreg:$0x3] =	wrdreg s5  }
0xaa: {  	[dreg:$0x4] =	wrdreg $0xC0  }
0xab: {  	_ =	task [dreg:s7], $0x5FFFF  }
0xac: {  	[dreg:$0x1] =	wrdreg $0xFFFFFFFF  }
0xad: {  	[dreg:$0x0] =	wrdreg $0x60  }
0xae: {  	[dreg:$0x2] =	wrdreg s24  }
0xaf: {  	[dreg:$0x3] =	wrdreg s2  }
0xb0: {  	[dreg:$0x4] =	wrdreg $0x9  }
0xb1: {  	_ =	task.clear_ibuf [dreg:s7], $0x5FFFF;
	_ =	strace $0x90000046  }
0xb2: {  	s29 =	simm.s32 $0x9;
	_ =	strace $0x80000048  }
0xb3: {  	_ =	swait.ge [sflag:s29], $0x1  }
0xb4: {  	[sflag:s29] =	ssyncadd.s32 $0xFFFFFFFF  }
0xb5: {  	_ =	strace $0x90000048  }
0xb6: {  	_ =	sfence  }
0xb7: {  	s30 =	sld [smem:$0x0];
	_ =	sdelay $0x2  }
0xb8: {  	s31 =	sshll.u32 s1, $0xD;
	s1 =	sshrl.u32 s1, $0x2  }
0xb9: {  	s3 =	sand.u32 $0x4000, s31;
	s1 =	sadd.s32 s1, s30  }
0xba: {  	s0 =	sor.u32 s3, s0;
	s1 =	sshll.u32 s1, $0x11  }
0xbb: {  	s0 =	sor.u32 s1, s0  }
0xbc: {  	s0 =	sadd.s32 $0x8F2B, s0  }
0xbd: {  	[sflag:s0] =	ssyncadd.remote.s32 $0x1  }
0xbe: {  	_ =	sfence.sel $0xFFFF  }
0xbf: {  	[dreg:$0x0] =	wrdreg $0xFFFFFFFF;
	(pc) =	sbr.abs _section_cstart, $3  }
0xc0: {  	[dreg:$0x1] =	wrdreg $0xFFFFFFFF  }
0xc1: {  	_ =	task.clear_ibuf [dreg:s7], $0x2FFFF;
	_ =	strace $0x9FFFFFFF  }
0xc2: {  	(tm) =	ssettm $0x7FFFFFFF  }
0xc3: {  	_ =	shalt  }
tec
execute0_lowered:
.L_overlay_start_1:
0x0: {  	(tag) =	ssettag $0x1  }
0x1: {  	s0 =	srdreg.scid  }
0x2: {  	s3 =	rddreg [dreg:$0x0];
	s4 =	sand.u32 $0x1, s0  }
0x3: {  	s5 =	rddreg [dreg:$0x1];
	s1 =	stileid.u32;
	s6 =	sshll.u32 s4, $0x4  }
0x4: {  	s2 =	simm.s32 $0x0;
	s9 =	simm.s32 $0x0;
	s6 =	sor.u32 s1, s6  }
0x5: {  	s0 =	rddreg [dreg:$0x2];
	s4 =	ssub.s32 $0x2, s4;
	s7 =	smul.u32 $0x9C4, s6  }
0x6: {  	[smem:$0x7FF] =	sst s2;
	s8 =	sshrl.u32 s4, $0x1;
	s6 =	smul.u32 $0x500, s6  }
0x7: {  	_ =	strace $0x80000047;
	s8 =	ssub.s32 s4, s8;
	s7 =	sadd.s32 s7, s3  }
0x8: {  	s3 =	sadd.s32 $0x2A800, s3;
	s5 =	sadd.s32 s5, s6;
	s6 =	smax.u32 s8, $0x1  }
0x9: {  	v0 =	vimm.f32 $1.000000000e+00;
	s8 =	simm.s32 $0x1;
	s4 =	sadd.s32 $0x16E00, s7;
	s7 =	simm.s32 $0x4E20  }
.LBB2_1:
0xa: {  	[tilespmem:s7], [sflag:$0x1] =	stream.linear.gather [hbm4b:s3+s2], $0x2800, $0x38;
	[tilespmem:$0x7620] =	vst v63  }
0xb: {  	_ =	swait.ge [sflag:s8], $0x2800  }
0xc: {  	[sflag:s8] =	ssyncset.done $0x0  }
0xd: {  	[sflag:s8] =	ssyncadd.s32 $0xFFFFD800  }
0xe: {  	[tilespmem:s2], [sflag:$0x1] =	stream.linear.gather [hbm4b:s4+s2], $0x4E20, $0x38;
	[tilespmem:$0x7620] =	vst v63  }
0xf: {  	_ =	swait.ge [sflag:s8], $0x4E20  }
0x10: {  	[sflag:s8] =	ssyncset.done $0x0  }
0x11: {  	s11 =	simm.s32 $0x0;
	s10 =	simm.s32 $0x40;
	[sflag:s8] =	ssyncadd.s32 $0xFFFFB1E0  }
.LBB2_2:
0x12: {  	p0 =	sne.s32 s10, $0x13840;
	v1 =	vld [tilespmem:s11+$0x0];
	_ =	sdelay $0x3  }
.Ltmp0:
0x13: {  	(pc) =	sbr.rel @p0 .LBB2_2-.Ltmp0, $2  }
0x14: {  	_ =	sdelay $0x2  }
0x15: {  	s11 =	sshra.s32 s10, $0x2;
	s10 =	sadd.s32 $0x40, s10;
	[tilespmem:v1+s7+$0x0] =	vst.idx.add.f32.msk $0xffff, v0  }
0x16: {  	v1 =	vld [tilespmem:s11+$0x0];
	_ =	sdelay $0x5  }
0x17: {  	s9 =	sadd.s32 $0x1, s9  }
0x18: {  	p0 =	sne.s32 s9, s6  }
.Ltmp1:
0x19: {  	[tilespmem:v1+s7+$0x0] =	vst.idx.add.f32.msk $0xffff, v0;
	(pc) =	sbr.rel @p0 .LBB2_1-.Ltmp1, $4  }
0x1a: {  	[hbm4b:s5+s2] =	stream.linear.scatter [tilespmem:s7], [sflag:$0x1], $0x2800, $0x38;
	[tilespmem:$0x7620] =	vst v63  }
0x1b: {  	_ =	swait.ge [sflag:s8], $0x2800  }
0x1c: {  	[sflag:s8] =	ssyncset.done $0x0  }
0x1d: {  	[sflag:s8] =	ssyncadd.s32 $0xFFFFD800  }
0x1e: {  	_ =	sfence.sel $0x180000  }
0x1f: {  	[bflag:$0x0] =	sbarrier.arrive $0xFFFF  }
0x20: {  	p0 =	sne.s32 s1, $0x0;
	_ =	strace $0x90000047  }
0x21: {  	s0 =	sadd.s32 @!p0 $0x100000, s0;
	[bflag:$0x2] =	sbarrier.arrive $0xFFFF  }
0x22: {  	[sflag:s0] =	ssyncadd.tile.s32 @!p0 $0x1;
	_ =	shalt  }
.Lfunc_end2:
_tile_overlayer_lowered:
.L_overlay_start_2:
0x23: {  	(tag) =	ssettag $0x2  }
0x24: {  	s0 =	rddreg [dreg:$0x0];
	s2 =	stileid.u32  }
0x25: {  	s1 =	rddreg [dreg:$0x1];
	p0 =	sne.s32 s2, $0x0  }
0x26: {  	s3 =	rddreg [dreg:$0x2];
	[bflag:$0x3] =	sbarrier.arrive $0xFFFF;
	s2 =	simm.s32 @!p0 $0x1C01  }
0x27: {  	[timem:s3], [sflag:s2] =	dma.local @!p0 [hbm:s0], s1  }
0x28: {  	s0 =	simm.s32 @!p0 $0x1  }
0x29: {  	_ =	swait.ge @!p0 [sflag:s0], s1  }
0x2a: {  	s1 =	ssub.s32 @!p0 $0x0, s1;
	[sflag:s0] =	ssyncset.done @!p0 $0x0  }
0x2b: {  	[sflag:s0] =	ssyncadd.s32 @!p0 s1  }
0x2c: {  	[bflag:$0x3] =	sbarrier.arrive $0xFFFF  }
0x2d: {  	_ =	shalt  }

</sc_bundles>
